<compile_context>
chip_gen: v7x
topology: tpu7x:2x2x1
jax: 0.10.2.dev20260603
libtpu: 0.0.44.dev20260713+nightly
codegen_flags: <defaults>
</compile_context>

<pallas_src>
import jax
import jax.numpy as jnp
from jax import lax
from jax.experimental import pallas as pl
from jax.experimental.pallas import tpu as pltpu
from jax.experimental.pallas import tpu_sc as plsc

N = 10000
E = 320000
D = 128
G = 8

NC = 2
NS = 16
NW = NC * NS

CH = 125
NCH = 80
HF = NCH // 2
EPT = NCH * CH

NPAD = 10240
RPT = NPAD // NS


def _sc_scatter_kernel(x_hbm, src_hbm, dst_hbm,
                       s_out, cnt_out,
                       src_v, dst_v, rows0_v, rows1_v, ones_v, zcnt_v,
                       sem, gsem0, gsem1, ssem0, ssem1, csem,
                       s_sh, cnt_sh):
    c = lax.axis_index("c")
    s = lax.axis_index("s")
    g = c * NS + s

    pltpu.async_copy(src_hbm.at[g, pl.ds(0, HF)], src_v, sem)
    pltpu.async_copy(dst_hbm.at[g, pl.ds(0, HF)], dst_v, sem)

    zv = jnp.zeros((16,), jnp.float32)
    ov = jnp.ones((16,), jnp.float32)

    @pl.loop(0, CH)
    def _(r):
        for q in range(D // 16):
            rows0_v[r, pl.ds(q * 16, 16)] = zv

    @pl.loop(0, RPT // 16)
    def _(r):
        zcnt_v[pl.ds(r * 16, 16)] = zv

    for q in range(128 // 16):
        ones_v[pl.ds(q * 16, 16)] = ov

    @pl.loop(0, RPT // 80)
    def _(r):
        pltpu.async_copy(rows0_v.at[pl.ds(0, 80)],
                         s_sh.at[pl.ds(s * RPT + r * 80, 80)], csem)
    pltpu.async_copy(zcnt_v, cnt_sh.at[pl.ds(s * RPT, RPT)], csem)

    @pl.loop(0, RPT // 80)
    def _(r):
        pltpu.make_async_copy(rows0_v.at[pl.ds(0, 80)],
                              s_sh.at[pl.ds(s * RPT + r * 80, 80)], csem).wait()
    pltpu.make_async_copy(zcnt_v, cnt_sh.at[pl.ds(s * RPT, RPT)], csem).wait()

    pltpu.make_async_copy(src_hbm.at[g, pl.ds(0, HF)], src_v, sem).wait()
    pltpu.make_async_copy(dst_hbm.at[g, pl.ds(0, HF)], dst_v, sem).wait()
    plsc.subcore_barrier()

    for p in (0, 1):
        if p == 1:
            pltpu.sync_copy(src_hbm.at[g, pl.ds(HF, HF)], src_v)
            pltpu.sync_copy(dst_hbm.at[g, pl.ds(HF, HF)], dst_v)
        pltpu.async_copy(x_hbm.at[src_v.at[0]], rows0_v, gsem0)
        pltpu.async_copy(x_hbm.at[src_v.at[1]], rows1_v, gsem1)

        @pl.loop(0, HF, step=2)
        def _(j):
            pltpu.make_async_copy(x_hbm.at[src_v.at[j]], rows0_v, gsem0).wait()
            pltpu.sync_copy(rows0_v, s_sh.at[dst_v.at[j]], add=True)
            pltpu.async_copy(ones_v.at[pl.ds(0, CH)], cnt_sh.at[dst_v.at[j]], csem, add=True)

            @pl.when(j + 2 < HF)
            def _():
                pltpu.async_copy(x_hbm.at[src_v.at[j + 2]], rows0_v, gsem0)

            pltpu.make_async_copy(x_hbm.at[src_v.at[j + 1]], rows1_v, gsem1).wait()
            pltpu.sync_copy(rows1_v, s_sh.at[dst_v.at[j + 1]], add=True)
            pltpu.async_copy(ones_v.at[pl.ds(0, CH)], cnt_sh.at[dst_v.at[j + 1]], csem, add=True)

            @pl.when(j + 3 < HF)
            def _():
                pltpu.async_copy(x_hbm.at[src_v.at[j + 3]], rows1_v, gsem1)

        @pl.loop(0, HF)
        def _(j):
            pltpu.make_async_copy(
                ones_v.at[pl.ds(0, CH)], cnt_sh.at[dst_v.at[j]], csem).wait()

    plsc.subcore_barrier()

    pltpu.async_copy(s_sh.at[pl.ds(s * RPT, RPT)],
                     s_out.at[c, pl.ds(s * RPT, RPT)], gsem0)
    pltpu.async_copy(cnt_sh.at[pl.ds(s * RPT, RPT)],
                     cnt_out.at[c, pl.ds(s * RPT, RPT)], gsem1)
    pltpu.make_async_copy(s_sh.at[pl.ds(s * RPT, RPT)],
                          s_out.at[c, pl.ds(s * RPT, RPT)], gsem0).wait()
    pltpu.make_async_copy(cnt_sh.at[pl.ds(s * RPT, RPT)],
                          cnt_out.at[c, pl.ds(s * RPT, RPT)], gsem1).wait()


def _sc_aggregate(x, src3, dst3):
    mesh = plsc.VectorSubcoreMesh(core_axis_name="c", subcore_axis_name="s")
    kern = pl.kernel(
        _sc_scatter_kernel,
        out_type=(
            jax.ShapeDtypeStruct((NC, NPAD, D), jnp.float32),
            jax.ShapeDtypeStruct((NC, NPAD), jnp.float32),
        ),
        mesh=mesh,
        scratch_types=[
            pltpu.VMEM((HF, CH), jnp.int32),
            pltpu.VMEM((HF, CH), jnp.int32),
            pltpu.VMEM((CH, D), jnp.float32),
            pltpu.VMEM((CH, D), jnp.float32),
            pltpu.VMEM((128,), jnp.float32),
            pltpu.VMEM((RPT,), jnp.float32),
            pltpu.SemaphoreType.DMA,
            pltpu.SemaphoreType.DMA,
            pltpu.SemaphoreType.DMA,
            pltpu.SemaphoreType.DMA,
            pltpu.SemaphoreType.DMA,
            pltpu.SemaphoreType.DMA,
            pltpu.VMEM_SHARED((NPAD, D), jnp.float32),
            pltpu.VMEM_SHARED((NPAD,), jnp.float32),
        ],
    )
    return kern(x, src3, dst3)


def _tc_kernel(s_ref, c_ref, x_ref, wlT_ref, wrT_ref,
               bl_ref, batch_ref, gw_ref, gb_ref, gms_ref, o_ref):
    s = s_ref[0, :N, :] + s_ref[1, :N, :]
    cnt = c_ref[0:1, :N] + c_ref[1:2, :N]
    x = x_ref[...]
    inv_cnt = jnp.transpose(1.0 / jnp.maximum(cnt, 1.0))
    aggr = s * inv_cnt
    h = (jnp.dot(aggr.astype(jnp.bfloat16), wlT_ref[...].astype(jnp.bfloat16),
                 preferred_element_type=jnp.float32)
         + jnp.dot(x.astype(jnp.bfloat16), wrT_ref[...].astype(jnp.bfloat16),
                   preferred_element_type=jnp.float32)
         + bl_ref[...])
    f = 0.5 * h * (1.0 + lax.erf(h * 0.7071067811865476))

    b = batch_ref[...]
    gid = lax.broadcasted_iota(jnp.int32, (G, N), 0)
    oh = (gid == b).astype(jnp.float32)
    gcnt = jnp.maximum(jnp.sum(oh, axis=1, keepdims=True), 1.0)
    sums = lax.dot_general(oh, f, (((1,), (0,)), ((), ())),
                           preferred_element_type=jnp.float32)
    sqs = lax.dot_general(oh, f * f, (((1,), (0,)), ((), ())),
                          preferred_element_type=jnp.float32)
    gmean = sums / gcnt
    a = gms_ref[...]
    gvar = sqs / gcnt - (2.0 * a - a * a) * gmean * gmean
    m = lax.dot_general(oh, gmean, (((0,), (0,)), ((), ())),
                        preferred_element_type=jnp.float32)
    v = lax.dot_general(oh, gvar, (((0,), (0,)), ((), ())),
                        preferred_element_type=jnp.float32)
    out = (f - a * m) * lax.rsqrt(v + 1e-5)
    o_ref[...] = gw_ref[...] * out + gb_ref[...] + x


def kernel(x, edge_index, batch, W_l, b_l, W_r, gn_weight, gn_bias, gn_mean_scale):
    src3 = edge_index[0].reshape(NW, NCH, CH)
    dst3 = edge_index[1].reshape(NW, NCH, CH)

    s_part, cnt_part = _sc_aggregate(x, src3, dst3)

    out = pl.pallas_call(
        _tc_kernel,
        out_shape=jax.ShapeDtypeStruct((N, D), jnp.float32),
    )(
        s_part, cnt_part,
        x, W_l.T, W_r.T, b_l.reshape(1, D), batch.reshape(1, N),
        gn_weight.reshape(1, D), gn_bias.reshape(1, D),
        gn_mean_scale.reshape(1, D),
    )
    return out

# --- scband reference (transcript-rebuilt; emitter-appended) ---
"""Pipeline reference for scband-sageblock-80668075753587 (READ-ONLY COPY).

The authoritative reference and input builder live on the scoring server;
editing this copy changes nothing except your own understanding.
"""

import jax, jax.numpy as jnp
import numpy as np

N = 10000
E = 320000
D = 128
G = 8


def setup_inputs(seed: int = 0) -> dict:
    key = jax.random.key(seed)
    ks = jax.random.split(key, 8)
    x = jax.random.normal(ks[0], (N, D), dtype=jnp.float32)
    edge_index = jax.random.randint(ks[1], (2, E), 0, N, dtype=jnp.int32)
    batch = jnp.sort(jax.random.randint(ks[2], (N,), 0, G, dtype=jnp.int32))
    # SAGEConv params (PyG convention: lin_l applied to aggregated neighbors w/ bias,
    # lin_r applied to root features w/o bias)
    W_l = jax.random.normal(ks[3], (D, D), dtype=jnp.float32) * 0.05
    b_l = jnp.zeros((D,), dtype=jnp.float32)
    W_r = jax.random.normal(ks[4], (D, D), dtype=jnp.float32) * 0.05
    # GraphNorm params
    gn_weight = jnp.ones((D,), dtype=jnp.float32)
    gn_bias = jnp.zeros((D,), dtype=jnp.float32)
    gn_mean_scale = jnp.ones((D,), dtype=jnp.float32)
    return {
        'x': x, 'edge_index': edge_index, 'batch': batch,
        'W_l': W_l, 'b_l': b_l, 'W_r': W_r,
        'gn_weight': gn_weight, 'gn_bias': gn_bias, 'gn_mean_scale': gn_mean_scale,
    }


def reference(x, edge_index, batch, W_l, b_l, W_r, gn_weight, gn_bias, gn_mean_scale):
    src = edge_index[0]
    dst = edge_index[1]
    # --- SAGEConv with mean aggregation ---
    msg = jnp.take(x, src, axis=0)                                   # gather [E, D]
    s = jax.ops.segment_sum(msg, dst, num_segments=N)                # scatter-add
    cnt = jax.ops.segment_sum(jnp.ones((E,), jnp.float32), dst, num_segments=N)
    aggr = s / jnp.clip(cnt, 1.0, None)[:, None]                     # mean aggregation
    h = aggr @ W_l.T + b_l + x @ W_r.T
    # --- GELU (torch F.gelu default = exact erf) ---
    f = jax.nn.gelu(h, approximate=False)
    # --- GraphNorm (per-graph mean/var with learnable mean_scale) ---
    gcnt = jax.ops.segment_sum(jnp.ones((N,), jnp.float32), batch, num_segments=G)
    gmean = jax.ops.segment_sum(f, batch, num_segments=G) / gcnt[:, None]
    out = f - gn_mean_scale * jnp.take(gmean, batch, axis=0)
    gvar = jax.ops.segment_sum(out * out, batch, num_segments=G) / gcnt[:, None]
    out = out / jnp.sqrt(jnp.take(gvar, batch, axis=0) + 1e-5)
    f = gn_weight * out + gn_bias
    # dropout: identity (eval mode)
    # residual
    f = f + x
    return f

if __name__ == "__main__":
    import jax
    _d = setup_inputs()
    print(jax.jit(kernel)(*tuple(_d.values())))

</pallas_src>

<mosaic_0001>
#map = affine_map<(d0, d1) -> (0, 0)>
#map1 = affine_map<(d0, d1) -> (0, 0, 0)>
module attributes {stable_mosaic.version = 14 : i64} {
  func.func @_sc_scatter_kernel(%arg0: i32, %arg1: i32, %arg2: memref<10000x128xf32, #tpu.memory_space<hbm>>, %arg3: memref<32x80x125xi32, #tpu.memory_space<hbm>>, %arg4: memref<32x80x125xi32, #tpu.memory_space<hbm>>, %arg5: memref<2x10240x128xf32, #tpu.memory_space<hbm>>, %arg6: memref<2x10240xf32, #tpu.memory_space<hbm>>, %arg7: memref<40x125xi32, #tpu.memory_space<vmem>>, %arg8: memref<40x125xi32, #tpu.memory_space<vmem>>, %arg9: memref<125x128xf32, #tpu.memory_space<vmem>>, %arg10: memref<125x128xf32, #tpu.memory_space<vmem>>, %arg11: memref<128xf32, #tpu.memory_space<vmem>>, %arg12: memref<640xf32, #tpu.memory_space<vmem>>, %arg13: memref<!tpu.dma_semaphore, #tpu.memory_space<semaphore_mem>>, %arg14: memref<!tpu.dma_semaphore, #tpu.memory_space<semaphore_mem>>, %arg15: memref<!tpu.dma_semaphore, #tpu.memory_space<semaphore_mem>>, %arg16: memref<!tpu.dma_semaphore, #tpu.memory_space<semaphore_mem>>, %arg17: memref<!tpu.dma_semaphore, #tpu.memory_space<semaphore_mem>>, %arg18: memref<!tpu.dma_semaphore, #tpu.memory_space<semaphore_mem>>, %arg19: memref<10240x128xf32, #tpu.memory_space<vmem_shared>>, %arg20: memref<10240xf32, #tpu.memory_space<vmem_shared>>) attributes {dimension_semantics = [#tpu.dimension_semantics<core_parallel>, #tpu.dimension_semantics<subcore_parallel>], iteration_bounds = array<i64: 2, 16>, scalar_prefetch = 0 : i64, scratch_operands = 14 : i64, tpu.core_type = #tpu.core_type<sc_vector_subcore>, window_params = [{transform_indices = #map}, {transform_indices = #map1}, {transform_indices = #map1}, {transform_indices = #map1}, {transform_indices = #map}]} {
    %mul3A = arith.constant 16 : i32
    %mul3A_0 = arith.muli %arg0, %mul3A : i32
    %add3A = arith.addi %mul3A_0, %arg1 : i32
    %dma_start3A = arith.constant 0 : i32
    %dma_start3A_1 = arith.constant 0 : i32
    %dma_start3A_2 = tpu.memref_slice %arg3[%add3A, %dma_start3A, %dma_start3A_1] : memref<32x80x125xi32, #tpu.memory_space<hbm>> -> memref<1x40x125xi32, #tpu.memory_space<hbm>>
    %dma_start3A_3 = tpu.memref_squeeze %dma_start3A_2 : memref<1x40x125xi32, #tpu.memory_space<hbm>> -> memref<40x125xi32, #tpu.memory_space<hbm>>
    %dma_start3A_4 = arith.constant 0 : i32
    %dma_start3A_5 = arith.constant 0 : i32
    %dma_start3A_6 = tpu.memref_slice %arg3[%add3A, %dma_start3A_4, %dma_start3A_5] : memref<32x80x125xi32, #tpu.memory_space<hbm>> -> memref<1x40x125xi32, #tpu.memory_space<hbm>>
    %dma_start3A_7 = tpu.memref_squeeze %dma_start3A_6 : memref<1x40x125xi32, #tpu.memory_space<hbm>> -> memref<40x125xi32, #tpu.memory_space<hbm>>
    tpu.enqueue_dma source(%dma_start3A_7 : memref<40x125xi32, #tpu.memory_space<hbm>>) target(%arg7 : memref<40x125xi32, #tpu.memory_space<vmem>>) target_semaphore(%arg13 : memref<!tpu.dma_semaphore, #tpu.memory_space<semaphore_mem>>)
    %dma_start3A_8 = arith.constant 0 : i32
    %dma_start3A_9 = arith.constant 0 : i32
    %dma_start3A_10 = tpu.memref_slice %arg4[%add3A, %dma_start3A_8, %dma_start3A_9] : memref<32x80x125xi32, #tpu.memory_space<hbm>> -> memref<1x40x125xi32, #tpu.memory_space<hbm>>
    %dma_start3A_11 = tpu.memref_squeeze %dma_start3A_10 : memref<1x40x125xi32, #tpu.memory_space<hbm>> -> memref<40x125xi32, #tpu.memory_space<hbm>>
    %dma_start3A_12 = arith.constant 0 : i32
    %dma_start3A_13 = arith.constant 0 : i32
    %dma_start3A_14 = tpu.memref_slice %arg4[%add3A, %dma_start3A_12, %dma_start3A_13] : memref<32x80x125xi32, #tpu.memory_space<hbm>> -> memref<1x40x125xi32, #tpu.memory_space<hbm>>
    %dma_start3A_15 = tpu.memref_squeeze %dma_start3A_14 : memref<1x40x125xi32, #tpu.memory_space<hbm>> -> memref<40x125xi32, #tpu.memory_space<hbm>>
    tpu.enqueue_dma source(%dma_start3A_15 : memref<40x125xi32, #tpu.memory_space<hbm>>) target(%arg8 : memref<40x125xi32, #tpu.memory_space<vmem>>) target_semaphore(%arg13 : memref<!tpu.dma_semaphore, #tpu.memory_space<semaphore_mem>>)
    %broadcast_in_dim3A = arith.constant 0.000000e+00 : f32
    %broadcast_in_dim3A_16 = vector.broadcast %broadcast_in_dim3A : f32 to vector<16xf32>
    %broadcast_in_dim3A_17 = arith.constant 1.000000e+00 : f32
    %broadcast_in_dim3A_18 = vector.broadcast %broadcast_in_dim3A_17 : f32 to vector<16xf32>
    %scan3A = arith.constant 0 : i32
    %scan3A_19 = arith.constant 125 : i32
    %scan3A_20 = arith.addi %scan3A, %scan3A_19 : i32
    %scan3A_21 = arith.constant 1 : i32
    scf.for %scan3A_173 = %scan3A to %scan3A_20 step %scan3A_21  : i32 {
      %mul3A_174 = arith.constant 1 : i32
      %mul3A_175 = arith.muli %scan3A_173, %mul3A_174 : i32
      %add3A_176 = arith.constant 0 : i32
      %add3A_177 = arith.addi %add3A_176, %mul3A_175 : i32
      %swap3A_178 = arith.index_cast %add3A_177 : i32 to index
      %swap3A_179 = arith.constant 0 : index
      %swap3A_180 = tpu.vector_load %arg9[%swap3A_178, %swap3A_179] {strides = array<i32>} : memref<125x128xf32, #tpu.memory_space<vmem>>, vector<1x16xf32>,
      %swap3A_181 = vector.shape_cast %swap3A_180 : vector<1x16xf32> to vector<16xf32>
      %swap3A_182 = vector.shape_cast %broadcast_in_dim3A_16 : vector<16xf32> to vector<1x16xf32>
      tpu.vector_store %arg9[%swap3A_178, %swap3A_179], %swap3A_182 {strides = array<i32>} : memref<125x128xf32, #tpu.memory_space<vmem>>, vector<1x16xf32>,
      %swap3A_183 = arith.index_cast %add3A_177 : i32 to index
      %swap3A_184 = arith.constant 16 : index
      %swap3A_185 = tpu.vector_load %arg9[%swap3A_183, %swap3A_184] {strides = array<i32>} : memref<125x128xf32, #tpu.memory_space<vmem>>, vector<1x16xf32>,
      %swap3A_186 = vector.shape_cast %swap3A_185 : vector<1x16xf32> to vector<16xf32>
      %swap3A_187 = vector.shape_cast %broadcast_in_dim3A_16 : vector<16xf32> to vector<1x16xf32>
      tpu.vector_store %arg9[%swap3A_183, %swap3A_184], %swap3A_187 {strides = array<i32>} : memref<125x128xf32, #tpu.memory_space<vmem>>, vector<1x16xf32>,
      %swap3A_188 = arith.index_cast %add3A_177 : i32 to index
      %swap3A_189 = arith.constant 32 : index
      %swap3A_190 = tpu.vector_load %arg9[%swap3A_188, %swap3A_189] {strides = array<i32>} : memref<125x128xf32, #tpu.memory_space<vmem>>, vector<1x16xf32>,
      %swap3A_191 = vector.shape_cast %swap3A_190 : vector<1x16xf32> to vector<16xf32>
      %swap3A_192 = vector.shape_cast %broadcast_in_dim3A_16 : vector<16xf32> to vector<1x16xf32>
      tpu.vector_store %arg9[%swap3A_188, %swap3A_189], %swap3A_192 {strides = array<i32>} : memref<125x128xf32, #tpu.memory_space<vmem>>, vector<1x16xf32>,
      %swap3A_193 = arith.index_cast %add3A_177 : i32 to index
      %swap3A_194 = arith.constant 48 : index
      %swap3A_195 = tpu.vector_load %arg9[%swap3A_193, %swap3A_194] {strides = array<i32>} : memref<125x128xf32, #tpu.memory_space<vmem>>, vector<1x16xf32>,
      %swap3A_196 = vector.shape_cast %swap3A_195 : vector<1x16xf32> to vector<16xf32>
      %swap3A_197 = vector.shape_cast %broadcast_in_dim3A_16 : vector<16xf32> to vector<1x16xf32>
      tpu.vector_store %arg9[%swap3A_193, %swap3A_194], %swap3A_197 {strides = array<i32>} : memref<125x128xf32, #tpu.memory_space<vmem>>, vector<1x16xf32>,
      %swap3A_198 = arith.index_cast %add3A_177 : i32 to index
      %swap3A_199 = arith.constant 64 : index
      %swap3A_200 = tpu.vector_load %arg9[%swap3A_198, %swap3A_199] {strides = array<i32>} : memref<125x128xf32, #tpu.memory_space<vmem>>, vector<1x16xf32>,
      %swap3A_201 = vector.shape_cast %swap3A_200 : vector<1x16xf32> to vector<16xf32>
      %swap3A_202 = vector.shape_cast %broadcast_in_dim3A_16 : vector<16xf32> to vector<1x16xf32>
      tpu.vector_store %arg9[%swap3A_198, %swap3A_199], %swap3A_202 {strides = array<i32>} : memref<125x128xf32, #tpu.memory_space<vmem>>, vector<1x16xf32>,
      %swap3A_203 = arith.index_cast %add3A_177 : i32 to index
      %swap3A_204 = arith.constant 80 : index
      %swap3A_205 = tpu.vector_load %arg9[%swap3A_203, %swap3A_204] {strides = array<i32>} : memref<125x128xf32, #tpu.memory_space<vmem>>, vector<1x16xf32>,
      %swap3A_206 = vector.shape_cast %swap3A_205 : vector<1x16xf32> to vector<16xf32>
      %swap3A_207 = vector.shape_cast %broadcast_in_dim3A_16 : vector<16xf32> to vector<1x16xf32>
      tpu.vector_store %arg9[%swap3A_203, %swap3A_204], %swap3A_207 {strides = array<i32>} : memref<125x128xf32, #tpu.memory_space<vmem>>, vector<1x16xf32>,
      %swap3A_208 = arith.index_cast %add3A_177 : i32 to index
      %swap3A_209 = arith.constant 96 : index
      %swap3A_210 = tpu.vector_load %arg9[%swap3A_208, %swap3A_209] {strides = array<i32>} : memref<125x128xf32, #tpu.memory_space<vmem>>, vector<1x16xf32>,
      %swap3A_211 = vector.shape_cast %swap3A_210 : vector<1x16xf32> to vector<16xf32>
      %swap3A_212 = vector.shape_cast %broadcast_in_dim3A_16 : vector<16xf32> to vector<1x16xf32>
      tpu.vector_store %arg9[%swap3A_208, %swap3A_209], %swap3A_212 {strides = array<i32>} : memref<125x128xf32, #tpu.memory_space<vmem>>, vector<1x16xf32>,
      %swap3A_213 = arith.index_cast %add3A_177 : i32 to index
      %swap3A_214 = arith.constant 112 : index
      %swap3A_215 = tpu.vector_load %arg9[%swap3A_213, %swap3A_214] {strides = array<i32>} : memref<125x128xf32, #tpu.memory_space<vmem>>, vector<1x16xf32>,
      %swap3A_216 = vector.shape_cast %swap3A_215 : vector<1x16xf32> to vector<16xf32>
      %swap3A_217 = vector.shape_cast %broadcast_in_dim3A_16 : vector<16xf32> to vector<1x16xf32>
      tpu.vector_store %arg9[%swap3A_213, %swap3A_214], %swap3A_217 {strides = array<i32>} : memref<125x128xf32, #tpu.memory_space<vmem>>, vector<1x16xf32>,
    }
    %scan3A_22 = arith.constant 125 : i32
    %scan3A_23 = arith.constant 0 : i32
    %scan3A_24 = arith.constant 40 : i32
    %scan3A_25 = arith.addi %scan3A_23, %scan3A_24 : i32
    %scan3A_26 = arith.constant 1 : i32
    scf.for %scan3A_173 = %scan3A_23 to %scan3A_25 step %scan3A_26  : i32 {
      %mul3A_174 = arith.constant 1 : i32
      %mul3A_175 = arith.muli %scan3A_173, %mul3A_174 : i32
      %add3A_176 = arith.constant 0 : i32
      %add3A_177 = arith.addi %add3A_176, %mul3A_175 : i32
      %mul3A_178 = arith.constant 16 : i32
      %mul3A_179 = arith.muli %add3A_177, %mul3A_178 : i32
      %swap3A_180 = arith.index_cast %mul3A_179 : i32 to index
      %swap3A_181 = tpu.vector_load %arg12[%swap3A_180] {strides = array<i32>} : memref<640xf32, #tpu.memory_space<vmem>>, vector<16xf32>,
      %swap3A_182 = vector.shape_cast %swap3A_181 : vector<16xf32> to vector<16xf32>
      %swap3A_183 = vector.shape_cast %broadcast_in_dim3A_16 : vector<16xf32> to vector<16xf32>
      tpu.vector_store %arg12[%swap3A_180], %swap3A_183 {strides = array<i32>} : memref<640xf32, #tpu.memory_space<vmem>>, vector<16xf32>,
    }
    %scan3A_27 = arith.constant 40 : i32
    %swap3A = arith.constant 0 : index
    %swap3A_28 = tpu.vector_load %arg11[%swap3A] {strides = array<i32>} : memref<128xf32, #tpu.memory_space<vmem>>, vector<16xf32>,
    %swap3A_29 = vector.shape_cast %swap3A_28 : vector<16xf32> to vector<16xf32>
    %swap3A_30 = vector.shape_cast %broadcast_in_dim3A_18 : vector<16xf32> to vector<16xf32>
    tpu.vector_store %arg11[%swap3A], %swap3A_30 {strides = array<i32>} : memref<128xf32, #tpu.memory_space<vmem>>, vector<16xf32>,
    %swap3A_31 = arith.constant 16 : index
    %swap3A_32 = tpu.vector_load %arg11[%swap3A_31] {strides = array<i32>} : memref<128xf32, #tpu.memory_space<vmem>>, vector<16xf32>,
    %swap3A_33 = vector.shape_cast %swap3A_32 : vector<16xf32> to vector<16xf32>
    %swap3A_34 = vector.shape_cast %broadcast_in_dim3A_18 : vector<16xf32> to vector<16xf32>
    tpu.vector_store %arg11[%swap3A_31], %swap3A_34 {strides = array<i32>} : memref<128xf32, #tpu.memory_space<vmem>>, vector<16xf32>,
    %swap3A_35 = arith.constant 32 : index
    %swap3A_36 = tpu.vector_load %arg11[%swap3A_35] {strides = array<i32>} : memref<128xf32, #tpu.memory_space<vmem>>, vector<16xf32>,
    %swap3A_37 = vector.shape_cast %swap3A_36 : vector<16xf32> to vector<16xf32>
    %swap3A_38 = vector.shape_cast %broadcast_in_dim3A_18 : vector<16xf32> to vector<16xf32>
    tpu.vector_store %arg11[%swap3A_35], %swap3A_38 {strides = array<i32>} : memref<128xf32, #tpu.memory_space<vmem>>, vector<16xf32>,
    %swap3A_39 = arith.constant 48 : index
    %swap3A_40 = tpu.vector_load %arg11[%swap3A_39] {strides = array<i32>} : memref<128xf32, #tpu.memory_space<vmem>>, vector<16xf32>,
    %swap3A_41 = vector.shape_cast %swap3A_40 : vector<16xf32> to vector<16xf32>
    %swap3A_42 = vector.shape_cast %broadcast_in_dim3A_18 : vector<16xf32> to vector<16xf32>
    tpu.vector_store %arg11[%swap3A_39], %swap3A_42 {strides = array<i32>} : memref<128xf32, #tpu.memory_space<vmem>>, vector<16xf32>,
    %swap3A_43 = arith.constant 64 : index
    %swap3A_44 = tpu.vector_load %arg11[%swap3A_43] {strides = array<i32>} : memref<128xf32, #tpu.memory_space<vmem>>, vector<16xf32>,
    %swap3A_45 = vector.shape_cast %swap3A_44 : vector<16xf32> to vector<16xf32>
    %swap3A_46 = vector.shape_cast %broadcast_in_dim3A_18 : vector<16xf32> to vector<16xf32>
    tpu.vector_store %arg11[%swap3A_43], %swap3A_46 {strides = array<i32>} : memref<128xf32, #tpu.memory_space<vmem>>, vector<16xf32>,
    %swap3A_47 = arith.constant 80 : index
    %swap3A_48 = tpu.vector_load %arg11[%swap3A_47] {strides = array<i32>} : memref<128xf32, #tpu.memory_space<vmem>>, vector<16xf32>,
    %swap3A_49 = vector.shape_cast %swap3A_48 : vector<16xf32> to vector<16xf32>
    %swap3A_50 = vector.shape_cast %broadcast_in_dim3A_18 : vector<16xf32> to vector<16xf32>
    tpu.vector_store %arg11[%swap3A_47], %swap3A_50 {strides = array<i32>} : memref<128xf32, #tpu.memory_space<vmem>>, vector<16xf32>,
    %swap3A_51 = arith.constant 96 : index
    %swap3A_52 = tpu.vector_load %arg11[%swap3A_51] {strides = array<i32>} : memref<128xf32, #tpu.memory_space<vmem>>, vector<16xf32>,
    %swap3A_53 = vector.shape_cast %swap3A_52 : vector<16xf32> to vector<16xf32>
    %swap3A_54 = vector.shape_cast %broadcast_in_dim3A_18 : vector<16xf32> to vector<16xf32>
    tpu.vector_store %arg11[%swap3A_51], %swap3A_54 {strides = array<i32>} : memref<128xf32, #tpu.memory_space<vmem>>, vector<16xf32>,
    %swap3A_55 = arith.constant 112 : index
    %swap3A_56 = tpu.vector_load %arg11[%swap3A_55] {strides = array<i32>} : memref<128xf32, #tpu.memory_space<vmem>>, vector<16xf32>,
    %swap3A_57 = vector.shape_cast %swap3A_56 : vector<16xf32> to vector<16xf32>
    %swap3A_58 = vector.shape_cast %broadcast_in_dim3A_18 : vector<16xf32> to vector<16xf32>
    tpu.vector_store %arg11[%swap3A_55], %swap3A_58 {strides = array<i32>} : memref<128xf32, #tpu.memory_space<vmem>>, vector<16xf32>,
    %scan3A_59 = arith.constant 0 : i32
    %scan3A_60 = arith.constant 8 : i32
    %scan3A_61 = arith.addi %scan3A_59, %scan3A_60 : i32
    %scan3A_62 = arith.constant 1 : i32
    scf.for %scan3A_173 = %scan3A_59 to %scan3A_61 step %scan3A_62  : i32 {
      %mul3A_174 = arith.constant 1 : i32
      %mul3A_175 = arith.muli %scan3A_173, %mul3A_174 : i32
      %add3A_176 = arith.constant 0 : i32
      %add3A_177 = arith.addi %add3A_176, %mul3A_175 : i32
      %mul3A_178 = arith.constant 640 : i32
      %mul3A_179 = arith.muli %arg1, %mul3A_178 : i32
      %mul3A_180 = arith.constant 80 : i32
      %mul3A_181 = arith.muli %add3A_177, %mul3A_180 : i32
      %add3A_182 = arith.addi %mul3A_179, %mul3A_181 : i32
      %dma_start3A_183 = arith.constant 0 : i32
      %dma_start3A_184 = arith.constant 0 : i32
      %dma_start3A_185 = tpu.memref_slice %arg9[%dma_start3A_183, %dma_start3A_184] : memref<125x128xf32, #tpu.memory_space<vmem>> -> memref<80x128xf32, #tpu.memory_space<vmem>>
      %dma_start3A_186 = arith.constant 0 : i32
      %dma_start3A_187 = tpu.memref_slice %arg19[%add3A_182, %dma_start3A_186] : memref<10240x128xf32, #tpu.memory_space<vmem_shared>> -> memref<80x128xf32, #tpu.memory_space<vmem_shared>>
      %dma_start3A_188 = arith.constant 0 : i32
      %dma_start3A_189 = tpu.memref_slice %arg19[%add3A_182, %dma_start3A_188] : memref<10240x128xf32, #tpu.memory_space<vmem_shared>> -> memref<80x128xf32, #tpu.memory_space<vmem_shared>>
      %dma_start3A_190 = arith.constant 0 : i32
      %dma_start3A_191 = arith.constant 0 : i32
      %dma_start3A_192 = tpu.memref_slice %arg9[%dma_start3A_190, %dma_start3A_191] : memref<125x128xf32, #tpu.memory_space<vmem>> -> memref<80x128xf32, #tpu.memory_space<vmem>>
      tpu.enqueue_dma source(%dma_start3A_192 : memref<80x128xf32, #tpu.memory_space<vmem>>) target(%dma_start3A_189 : memref<80x128xf32, #tpu.memory_space<vmem_shared>>) target_semaphore(%arg18 : memref<!tpu.dma_semaphore, #tpu.memory_space<semaphore_mem>>)
    }
    %scan3A_63 = arith.constant 8 : i32
    %mul3A_64 = arith.constant 640 : i32
    %mul3A_65 = arith.muli %arg1, %mul3A_64 : i32
    %dma_start3A_66 = tpu.memref_slice %arg20[%mul3A_65] : memref<10240xf32, #tpu.memory_space<vmem_shared>> -> memref<640xf32, #tpu.memory_space<vmem_shared>>
    %dma_start3A_67 = tpu.memref_slice %arg20[%mul3A_65] : memref<10240xf32, #tpu.memory_space<vmem_shared>> -> memref<640xf32, #tpu.memory_space<vmem_shared>>
    tpu.enqueue_dma source(%arg12 : memref<640xf32, #tpu.memory_space<vmem>>) target(%dma_start3A_67 : memref<640xf32, #tpu.memory_space<vmem_shared>>) target_semaphore(%arg18 : memref<!tpu.dma_semaphore, #tpu.memory_space<semaphore_mem>>)
    %scan3A_68 = arith.constant 0 : i32
    %scan3A_69 = arith.constant 8 : i32
    %scan3A_70 = arith.addi %scan3A_68, %scan3A_69 : i32
    %scan3A_71 = arith.constant 1 : i32
    scf.for %scan3A_173 = %scan3A_68 to %scan3A_70 step %scan3A_71  : i32 {
      %mul3A_174 = arith.constant 1 : i32
      %mul3A_175 = arith.muli %scan3A_173, %mul3A_174 : i32
      %add3A_176 = arith.constant 0 : i32
      %add3A_177 = arith.addi %add3A_176, %mul3A_175 : i32
      %mul3A_178 = arith.constant 640 : i32
      %mul3A_179 = arith.muli %arg1, %mul3A_178 : i32
      %mul3A_180 = arith.constant 80 : i32
      %mul3A_181 = arith.muli %add3A_177, %mul3A_180 : i32
      %add3A_182 = arith.addi %mul3A_179, %mul3A_181 : i32
      %dma_wait3A_183 = arith.constant 0 : i32
      %dma_wait3A_184 = arith.constant 0 : i32
      %dma_wait3A_185 = tpu.memref_slice %arg9[%dma_wait3A_183, %dma_wait3A_184] : memref<125x128xf32, #tpu.memory_space<vmem>> -> memref<80x128xf32, #tpu.memory_space<vmem>>
      %dma_wait3A_186 = arith.constant 0 : i32
      %dma_wait3A_187 = tpu.memref_slice %arg19[%add3A_182, %dma_wait3A_186] : memref<10240x128xf32, #tpu.memory_space<vmem_shared>> -> memref<80x128xf32, #tpu.memory_space<vmem_shared>>
      %dma_wait3A_188 = arith.constant 0 : i32
      %dma_wait3A_189 = tpu.memref_slice %arg19[%add3A_182, %dma_wait3A_188] : memref<10240x128xf32, #tpu.memory_space<vmem_shared>> -> memref<80x128xf32, #tpu.memory_space<vmem_shared>>
      %dma_wait3A_190 = arith.constant 0 : i32
      %dma_wait3A_191 = arith.constant 0 : i32
      %dma_wait3A_192 = tpu.memref_slice %arg9[%dma_wait3A_190, %dma_wait3A_191] : memref<125x128xf32, #tpu.memory_space<vmem>> -> memref<80x128xf32, #tpu.memory_space<vmem>>
      tpu.wait_dma2 semaphore(%arg18 : memref<!tpu.dma_semaphore, #tpu.memory_space<semaphore_mem>>) src(%dma_wait3A_192 : memref<80x128xf32, #tpu.memory_space<vmem>>) dst(%dma_wait3A_189 : memref<80x128xf32, #tpu.memory_space<vmem_shared>>)
    }
    %scan3A_72 = arith.constant 8 : i32
    %mul3A_73 = arith.constant 640 : i32
    %mul3A_74 = arith.muli %arg1, %mul3A_73 : i32
    %dma_wait3A = tpu.memref_slice %arg20[%mul3A_74] : memref<10240xf32, #tpu.memory_space<vmem_shared>> -> memref<640xf32, #tpu.memory_space<vmem_shared>>
    %dma_wait3A_75 = tpu.memref_slice %arg20[%mul3A_74] : memref<10240xf32, #tpu.memory_space<vmem_shared>> -> memref<640xf32, #tpu.memory_space<vmem_shared>>
    tpu.wait_dma2 semaphore(%arg18 : memref<!tpu.dma_semaphore, #tpu.memory_space<semaphore_mem>>) src(%arg12 : memref<640xf32, #tpu.memory_space<vmem>>) dst(%dma_wait3A_75 : memref<640xf32, #tpu.memory_space<vmem_shared>>)
    %dma_wait3A_76 = arith.constant 0 : i32
    %dma_wait3A_77 = arith.constant 0 : i32
    %dma_wait3A_78 = tpu.memref_slice %arg3[%add3A, %dma_wait3A_76, %dma_wait3A_77] : memref<32x80x125xi32, #tpu.memory_space<hbm>> -> memref<1x40x125xi32, #tpu.memory_space<hbm>>
    %dma_wait3A_79 = tpu.memref_squeeze %dma_wait3A_78 : memref<1x40x125xi32, #tpu.memory_space<hbm>> -> memref<40x125xi32, #tpu.memory_space<hbm>>
    %dma_wait3A_80 = arith.constant 0 : i32
    %dma_wait3A_81 = arith.constant 0 : i32
    %dma_wait3A_82 = tpu.memref_slice %arg3[%add3A, %dma_wait3A_80, %dma_wait3A_81] : memref<32x80x125xi32, #tpu.memory_space<hbm>> -> memref<1x40x125xi32, #tpu.memory_space<hbm>>
    %dma_wait3A_83 = tpu.memref_squeeze %dma_wait3A_82 : memref<1x40x125xi32, #tpu.memory_space<hbm>> -> memref<40x125xi32, #tpu.memory_space<hbm>>
    tpu.wait_dma2 semaphore(%arg13 : memref<!tpu.dma_semaphore, #tpu.memory_space<semaphore_mem>>) src(%dma_wait3A_83 : memref<40x125xi32, #tpu.memory_space<hbm>>) dst(%arg7 : memref<40x125xi32, #tpu.memory_space<vmem>>)
    %dma_wait3A_84 = arith.constant 0 : i32
    %dma_wait3A_85 = arith.constant 0 : i32
    %dma_wait3A_86 = tpu.memref_slice %arg4[%add3A, %dma_wait3A_84, %dma_wait3A_85] : memref<32x80x125xi32, #tpu.memory_space<hbm>> -> memref<1x40x125xi32, #tpu.memory_space<hbm>>
    %dma_wait3A_87 = tpu.memref_squeeze %dma_wait3A_86 : memref<1x40x125xi32, #tpu.memory_space<hbm>> -> memref<40x125xi32, #tpu.memory_space<hbm>>
    %dma_wait3A_88 = arith.constant 0 : i32
    %dma_wait3A_89 = arith.constant 0 : i32
    %dma_wait3A_90 = tpu.memref_slice %arg4[%add3A, %dma_wait3A_88, %dma_wait3A_89] : memref<32x80x125xi32, #tpu.memory_space<hbm>> -> memref<1x40x125xi32, #tpu.memory_space<hbm>>
    %dma_wait3A_91 = tpu.memref_squeeze %dma_wait3A_90 : memref<1x40x125xi32, #tpu.memory_space<hbm>> -> memref<40x125xi32, #tpu.memory_space<hbm>>
    tpu.wait_dma2 semaphore(%arg13 : memref<!tpu.dma_semaphore, #tpu.memory_space<semaphore_mem>>) src(%dma_wait3A_91 : memref<40x125xi32, #tpu.memory_space<hbm>>) dst(%arg8 : memref<40x125xi32, #tpu.memory_space<vmem>>)
    %barrier3A = arith.constant 0 : index
    tpu.barrier barrier_id(%barrier3A)
    %dma_start3A_92 = arith.constant 0 : i32
    %dma_start3A_93 = arith.constant 0 : i32
    %dma_start3A_94 = tpu.memref_slice %arg7[%dma_start3A_92, %dma_start3A_93] : memref<40x125xi32, #tpu.memory_space<vmem>> -> memref<1x125xi32, #tpu.memory_space<vmem>>
    %dma_start3A_95 = tpu.memref_squeeze %dma_start3A_94 : memref<1x125xi32, #tpu.memory_space<vmem>> -> memref<125xi32, #tpu.memory_space<vmem>>
    %dma_start3A_96 = arith.constant 0 : i32
    %dma_start3A_97 = arith.constant 0 : i32
    %dma_start3A_98 = tpu.memref_slice %arg2[%dma_start3A_96, %dma_start3A_97] : memref<10000x128xf32, #tpu.memory_space<hbm>> -> memref<10000x128xf32, #tpu.memory_space<hbm>>
    tpu.enqueue_indirect_dma source(%dma_start3A_98 : memref<10000x128xf32, #tpu.memory_space<hbm>>) target(%arg9 : memref<125x128xf32, #tpu.memory_space<vmem>>) offsets(%dma_start3A_95 : memref<125xi32, #tpu.memory_space<vmem>>) semaphore(%arg14 : memref<!tpu.dma_semaphore, #tpu.memory_space<semaphore_mem>>)
    %dma_start3A_99 = arith.constant 1 : i32
    %dma_start3A_100 = arith.constant 0 : i32
    %dma_start3A_101 = tpu.memref_slice %arg7[%dma_start3A_99, %dma_start3A_100] : memref<40x125xi32, #tpu.memory_space<vmem>> -> memref<1x125xi32, #tpu.memory_space<vmem>>
    %dma_start3A_102 = tpu.memref_squeeze %dma_start3A_101 : memref<1x125xi32, #tpu.memory_space<vmem>> -> memref<125xi32, #tpu.memory_space<vmem>>
    %dma_start3A_103 = arith.constant 0 : i32
    %dma_start3A_104 = arith.constant 0 : i32
    %dma_start3A_105 = tpu.memref_slice %arg2[%dma_start3A_103, %dma_start3A_104] : memref<10000x128xf32, #tpu.memory_space<hbm>> -> memref<10000x128xf32, #tpu.memory_space<hbm>>
    tpu.enqueue_indirect_dma source(%dma_start3A_105 : memref<10000x128xf32, #tpu.memory_space<hbm>>) target(%arg10 : memref<125x128xf32, #tpu.memory_space<vmem>>) offsets(%dma_start3A_102 : memref<125xi32, #tpu.memory_space<vmem>>) semaphore(%arg15 : memref<!tpu.dma_semaphore, #tpu.memory_space<semaphore_mem>>)
    %scan3A_106 = arith.constant 0 : i32
    %scan3A_107 = arith.constant 20 : i32
    %scan3A_108 = arith.addi %scan3A_106, %scan3A_107 : i32
    %scan3A_109 = arith.constant 1 : i32
    scf.for %scan3A_173 = %scan3A_106 to %scan3A_108 step %scan3A_109  : i32 {
      %mul3A_174 = arith.constant 2 : i32
      %mul3A_175 = arith.muli %scan3A_173, %mul3A_174 : i32
      %add3A_176 = arith.constant 0 : i32
      %add3A_177 = arith.addi %add3A_176, %mul3A_175 : i32
      %dma_wait3A_178 = arith.constant 0 : i32
      %dma_wait3A_179 = tpu.memref_slice %arg7[%add3A_177, %dma_wait3A_178] : memref<40x125xi32, #tpu.memory_space<vmem>> -> memref<1x125xi32, #tpu.memory_space<vmem>>
      %dma_wait3A_180 = tpu.memref_squeeze %dma_wait3A_179 : memref<1x125xi32, #tpu.memory_space<vmem>> -> memref<125xi32, #tpu.memory_space<vmem>>
      %dma_wait3A_181 = arith.constant 0 : i32
      %dma_wait3A_182 = arith.constant 0 : i32
      %dma_wait3A_183 = tpu.memref_slice %arg2[%dma_wait3A_181, %dma_wait3A_182] : memref<10000x128xf32, #tpu.memory_space<hbm>> -> memref<10000x128xf32, #tpu.memory_space<hbm>>
      tpu.wait_indirect_dma semaphore(%arg14 : memref<!tpu.dma_semaphore, #tpu.memory_space<semaphore_mem>>) src(%dma_wait3A_183 : memref<10000x128xf32, #tpu.memory_space<hbm>>) dst(%arg9 : memref<125x128xf32, #tpu.memory_space<vmem>>)
      "tpu.region"() ({
        %run_scoped3A = tpu.sem_alloc : memref<!tpu.dma_semaphore, #tpu.memory_space<semaphore_mem>>
        %dma_start3A_221 = arith.constant 0 : i32
        %dma_start3A_222 = tpu.memref_slice %arg8[%add3A_177, %dma_start3A_221] : memref<40x125xi32, #tpu.memory_space<vmem>> -> memref<1x125xi32, #tpu.memory_space<vmem>>
        %dma_start3A_223 = tpu.memref_squeeze %dma_start3A_222 : memref<1x125xi32, #tpu.memory_space<vmem>> -> memref<125xi32, #tpu.memory_space<vmem>>
        %dma_start3A_224 = arith.constant 0 : i32
        %dma_start3A_225 = arith.constant 0 : i32
        %dma_start3A_226 = tpu.memref_slice %arg19[%dma_start3A_224, %dma_start3A_225] : memref<10240x128xf32, #tpu.memory_space<vmem_shared>> -> memref<10240x128xf32, #tpu.memory_space<vmem_shared>>
        tpu.enqueue_indirect_dma source(%arg9 : memref<125x128xf32, #tpu.memory_space<vmem>>) target(%dma_start3A_226 : memref<10240x128xf32, #tpu.memory_space<vmem_shared>>) offsets(%dma_start3A_223 : memref<125xi32, #tpu.memory_space<vmem>>) semaphore(%run_scoped3A : memref<!tpu.dma_semaphore, #tpu.memory_space<semaphore_mem>>) {add = true}
        %dma_wait3A_227 = arith.constant 0 : i32
        %dma_wait3A_228 = tpu.memref_slice %arg8[%add3A_177, %dma_wait3A_227] : memref<40x125xi32, #tpu.memory_space<vmem>> -> memref<1x125xi32, #tpu.memory_space<vmem>>
        %dma_wait3A_229 = tpu.memref_squeeze %dma_wait3A_228 : memref<1x125xi32, #tpu.memory_space<vmem>> -> memref<125xi32, #tpu.memory_space<vmem>>
        %dma_wait3A_230 = arith.constant 0 : i32
        %dma_wait3A_231 = arith.constant 0 : i32
        %dma_wait3A_232 = tpu.memref_slice %arg19[%dma_wait3A_230, %dma_wait3A_231] : memref<10240x128xf32, #tpu.memory_space<vmem_shared>> -> memref<10240x128xf32, #tpu.memory_space<vmem_shared>>
        tpu.wait_indirect_dma semaphore(%run_scoped3A : memref<!tpu.dma_semaphore, #tpu.memory_space<semaphore_mem>>) src(%arg9 : memref<125x128xf32, #tpu.memory_space<vmem>>) dst(%dma_wait3A_232 : memref<10240x128xf32, #tpu.memory_space<vmem_shared>>)
        tpu.yield
      }) : () -> ()
      %dma_start3A_184 = arith.constant 0 : i32
      %dma_start3A_185 = tpu.memref_slice %arg11[%dma_start3A_184] : memref<128xf32, #tpu.memory_space<vmem>> -> memref<125xf32, #tpu.memory_space<vmem>>
      %dma_start3A_186 = arith.constant 0 : i32
      %dma_start3A_187 = tpu.memref_slice %arg8[%add3A_177, %dma_start3A_186] : memref<40x125xi32, #tpu.memory_space<vmem>> -> memref<1x125xi32, #tpu.memory_space<vmem>>
      %dma_start3A_188 = tpu.memref_squeeze %dma_start3A_187 : memref<1x125xi32, #tpu.memory_space<vmem>> -> memref<125xi32, #tpu.memory_space<vmem>>
      %dma_start3A_189 = arith.constant 0 : i32
      %dma_start3A_190 = tpu.memref_slice %arg20[%dma_start3A_189] : memref<10240xf32, #tpu.memory_space<vmem_shared>> -> memref<10240xf32, #tpu.memory_space<vmem_shared>>
      tpu.enqueue_indirect_dma source(%dma_start3A_185 : memref<125xf32, #tpu.memory_space<vmem>>) target(%dma_start3A_190 : memref<10240xf32, #tpu.memory_space<vmem_shared>>) offsets(%dma_start3A_188 : memref<125xi32, #tpu.memory_space<vmem>>) semaphore(%arg18 : memref<!tpu.dma_semaphore, #tpu.memory_space<semaphore_mem>>) {add = true}
      %add3A_191 = arith.constant 2 : i32
      %add3A_192 = arith.addi %add3A_177, %add3A_191 : i32
      %lt3A = arith.constant 40 : i32
      %lt3A_193 = arith.cmpi slt, %add3A_192, %lt3A : i32
      %convert_element_type3A = arith.extui %lt3A_193 : i1 to i32
      %cond3A = arith.constant 0 : i32
      %cond3A_194 = arith.cmpi ne, %convert_element_type3A, %cond3A : i32
      scf.if %cond3A_194 {
        %add3A_221 = arith.constant 2 : i32
        %add3A_222 = arith.addi %add3A_177, %add3A_221 : i32
        %dma_start3A_223 = arith.constant 0 : i32
        %dma_start3A_224 = tpu.memref_slice %arg7[%add3A_222, %dma_start3A_223] : memref<40x125xi32, #tpu.memory_space<vmem>> -> memref<1x125xi32, #tpu.memory_space<vmem>>
        %dma_start3A_225 = tpu.memref_squeeze %dma_start3A_224 : memref<1x125xi32, #tpu.memory_space<vmem>> -> memref<125xi32, #tpu.memory_space<vmem>>
        %dma_start3A_226 = arith.constant 0 : i32
        %dma_start3A_227 = arith.constant 0 : i32
        %dma_start3A_228 = tpu.memref_slice %arg2[%dma_start3A_226, %dma_start3A_227] : memref<10000x128xf32, #tpu.memory_space<hbm>> -> memref<10000x128xf32, #tpu.memory_space<hbm>>
        tpu.enqueue_indirect_dma source(%dma_start3A_228 : memref<10000x128xf32, #tpu.memory_space<hbm>>) target(%arg9 : memref<125x128xf32, #tpu.memory_space<vmem>>) offsets(%dma_start3A_225 : memref<125xi32, #tpu.memory_space<vmem>>) semaphore(%arg14 : memref<!tpu.dma_semaphore, #tpu.memory_space<semaphore_mem>>)
      } else {
      }
      %add3A_195 = arith.constant 1 : i32
      %add3A_196 = arith.addi %add3A_177, %add3A_195 : i32
      %dma_wait3A_197 = arith.constant 0 : i32
      %dma_wait3A_198 = tpu.memref_slice %arg7[%add3A_196, %dma_wait3A_197] : memref<40x125xi32, #tpu.memory_space<vmem>> -> memref<1x125xi32, #tpu.memory_space<vmem>>
      %dma_wait3A_199 = tpu.memref_squeeze %dma_wait3A_198 : memref<1x125xi32, #tpu.memory_space<vmem>> -> memref<125xi32, #tpu.memory_space<vmem>>
      %dma_wait3A_200 = arith.constant 0 : i32
      %dma_wait3A_201 = arith.constant 0 : i32
      %dma_wait3A_202 = tpu.memref_slice %arg2[%dma_wait3A_200, %dma_wait3A_201] : memref<10000x128xf32, #tpu.memory_space<hbm>> -> memref<10000x128xf32, #tpu.memory_space<hbm>>
      tpu.wait_indirect_dma semaphore(%arg15 : memref<!tpu.dma_semaphore, #tpu.memory_space<semaphore_mem>>) src(%dma_wait3A_202 : memref<10000x128xf32, #tpu.memory_space<hbm>>) dst(%arg10 : memref<125x128xf32, #tpu.memory_space<vmem>>)
      %add3A_203 = arith.constant 1 : i32
      %add3A_204 = arith.addi %add3A_177, %add3A_203 : i32
      "tpu.region"() ({
        %run_scoped3A = tpu.sem_alloc : memref<!tpu.dma_semaphore, #tpu.memory_space<semaphore_mem>>
        %dma_start3A_221 = arith.constant 0 : i32
        %dma_start3A_222 = tpu.memref_slice %arg8[%add3A_204, %dma_start3A_221] : memref<40x125xi32, #tpu.memory_space<vmem>> -> memref<1x125xi32, #tpu.memory_space<vmem>>
        %dma_start3A_223 = tpu.memref_squeeze %dma_start3A_222 : memref<1x125xi32, #tpu.memory_space<vmem>> -> memref<125xi32, #tpu.memory_space<vmem>>
        %dma_start3A_224 = arith.constant 0 : i32
        %dma_start3A_225 = arith.constant 0 : i32
        %dma_start3A_226 = tpu.memref_slice %arg19[%dma_start3A_224, %dma_start3A_225] : memref<10240x128xf32, #tpu.memory_space<vmem_shared>> -> memref<10240x128xf32, #tpu.memory_space<vmem_shared>>
        tpu.enqueue_indirect_dma source(%arg10 : memref<125x128xf32, #tpu.memory_space<vmem>>) target(%dma_start3A_226 : memref<10240x128xf32, #tpu.memory_space<vmem_shared>>) offsets(%dma_start3A_223 : memref<125xi32, #tpu.memory_space<vmem>>) semaphore(%run_scoped3A : memref<!tpu.dma_semaphore, #tpu.memory_space<semaphore_mem>>) {add = true}
        %dma_wait3A_227 = arith.constant 0 : i32
        %dma_wait3A_228 = tpu.memref_slice %arg8[%add3A_204, %dma_wait3A_227] : memref<40x125xi32, #tpu.memory_space<vmem>> -> memref<1x125xi32, #tpu.memory_space<vmem>>
        %dma_wait3A_229 = tpu.memref_squeeze %dma_wait3A_228 : memref<1x125xi32, #tpu.memory_space<vmem>> -> memref<125xi32, #tpu.memory_space<vmem>>
        %dma_wait3A_230 = arith.constant 0 : i32
        %dma_wait3A_231 = arith.constant 0 : i32
        %dma_wait3A_232 = tpu.memref_slice %arg19[%dma_wait3A_230, %dma_wait3A_231] : memref<10240x128xf32, #tpu.memory_space<vmem_shared>> -> memref<10240x128xf32, #tpu.memory_space<vmem_shared>>
        tpu.wait_indirect_dma semaphore(%run_scoped3A : memref<!tpu.dma_semaphore, #tpu.memory_space<semaphore_mem>>) src(%arg10 : memref<125x128xf32, #tpu.memory_space<vmem>>) dst(%dma_wait3A_232 : memref<10240x128xf32, #tpu.memory_space<vmem_shared>>)
        tpu.yield
      }) : () -> ()
      %add3A_205 = arith.constant 1 : i32
      %add3A_206 = arith.addi %add3A_177, %add3A_205 : i32
      %dma_start3A_207 = arith.constant 0 : i32
      %dma_start3A_208 = tpu.memref_slice %arg11[%dma_start3A_207] : memref<128xf32, #tpu.memory_space<vmem>> -> memref<125xf32, #tpu.memory_space<vmem>>
      %dma_start3A_209 = arith.constant 0 : i32
      %dma_start3A_210 = tpu.memref_slice %arg8[%add3A_206, %dma_start3A_209] : memref<40x125xi32, #tpu.memory_space<vmem>> -> memref<1x125xi32, #tpu.memory_space<vmem>>
      %dma_start3A_211 = tpu.memref_squeeze %dma_start3A_210 : memref<1x125xi32, #tpu.memory_space<vmem>> -> memref<125xi32, #tpu.memory_space<vmem>>
      %dma_start3A_212 = arith.constant 0 : i32
      %dma_start3A_213 = tpu.memref_slice %arg20[%dma_start3A_212] : memref<10240xf32, #tpu.memory_space<vmem_shared>> -> memref<10240xf32, #tpu.memory_space<vmem_shared>>
      tpu.enqueue_indirect_dma source(%dma_start3A_208 : memref<125xf32, #tpu.memory_space<vmem>>) target(%dma_start3A_213 : memref<10240xf32, #tpu.memory_space<vmem_shared>>) offsets(%dma_start3A_211 : memref<125xi32, #tpu.memory_space<vmem>>) semaphore(%arg18 : memref<!tpu.dma_semaphore, #tpu.memory_space<semaphore_mem>>) {add = true}
      %add3A_214 = arith.constant 3 : i32
      %add3A_215 = arith.addi %add3A_177, %add3A_214 : i32
      %lt3A_216 = arith.constant 40 : i32
      %lt3A_217 = arith.cmpi slt, %add3A_215, %lt3A_216 : i32
      %convert_element_type3A_218 = arith.extui %lt3A_217 : i1 to i32
      %cond3A_219 = arith.constant 0 : i32
      %cond3A_220 = arith.cmpi ne, %convert_element_type3A_218, %cond3A_219 : i32
      scf.if %cond3A_220 {
        %add3A_221 = arith.constant 3 : i32
        %add3A_222 = arith.addi %add3A_177, %add3A_221 : i32
        %dma_start3A_223 = arith.constant 0 : i32
        %dma_start3A_224 = tpu.memref_slice %arg7[%add3A_222, %dma_start3A_223] : memref<40x125xi32, #tpu.memory_space<vmem>> -> memref<1x125xi32, #tpu.memory_space<vmem>>
        %dma_start3A_225 = tpu.memref_squeeze %dma_start3A_224 : memref<1x125xi32, #tpu.memory_space<vmem>> -> memref<125xi32, #tpu.memory_space<vmem>>
        %dma_start3A_226 = arith.constant 0 : i32
        %dma_start3A_227 = arith.constant 0 : i32
        %dma_start3A_228 = tpu.memref_slice %arg2[%dma_start3A_226, %dma_start3A_227] : memref<10000x128xf32, #tpu.memory_space<hbm>> -> memref<10000x128xf32, #tpu.memory_space<hbm>>
        tpu.enqueue_indirect_dma source(%dma_start3A_228 : memref<10000x128xf32, #tpu.memory_space<hbm>>) target(%arg10 : memref<125x128xf32, #tpu.memory_space<vmem>>) offsets(%dma_start3A_225 : memref<125xi32, #tpu.memory_space<vmem>>) semaphore(%arg15 : memref<!tpu.dma_semaphore, #tpu.memory_space<semaphore_mem>>)
      } else {
      }
    }
    %scan3A_110 = arith.constant 20 : i32
    %scan3A_111 = arith.constant 0 : i32
    %scan3A_112 = arith.constant 40 : i32
    %scan3A_113 = arith.addi %scan3A_111, %scan3A_112 : i32
    %scan3A_114 = arith.constant 1 : i32
    scf.for %scan3A_173 = %scan3A_111 to %scan3A_113 step %scan3A_114  : i32 {
      %mul3A_174 = arith.constant 1 : i32
      %mul3A_175 = arith.muli %scan3A_173, %mul3A_174 : i32
      %add3A_176 = arith.constant 0 : i32
      %add3A_177 = arith.addi %add3A_176, %mul3A_175 : i32
      %dma_wait3A_178 = arith.constant 0 : i32
      %dma_wait3A_179 = tpu.memref_slice %arg11[%dma_wait3A_178] : memref<128xf32, #tpu.memory_space<vmem>> -> memref<125xf32, #tpu.memory_space<vmem>>
      %dma_wait3A_180 = arith.constant 0 : i32
      %dma_wait3A_181 = tpu.memref_slice %arg8[%add3A_177, %dma_wait3A_180] : memref<40x125xi32, #tpu.memory_space<vmem>> -> memref<1x125xi32, #tpu.memory_space<vmem>>
      %dma_wait3A_182 = tpu.memref_squeeze %dma_wait3A_181 : memref<1x125xi32, #tpu.memory_space<vmem>> -> memref<125xi32, #tpu.memory_space<vmem>>
      %dma_wait3A_183 = arith.constant 0 : i32
      %dma_wait3A_184 = tpu.memref_slice %arg20[%dma_wait3A_183] : memref<10240xf32, #tpu.memory_space<vmem_shared>> -> memref<10240xf32, #tpu.memory_space<vmem_shared>>
      tpu.wait_indirect_dma semaphore(%arg18 : memref<!tpu.dma_semaphore, #tpu.memory_space<semaphore_mem>>) src(%dma_wait3A_179 : memref<125xf32, #tpu.memory_space<vmem>>) dst(%dma_wait3A_184 : memref<10240xf32, #tpu.memory_space<vmem_shared>>)
    }
    %scan3A_115 = arith.constant 40 : i32
    "tpu.region"() ({
      %run_scoped3A = tpu.sem_alloc : memref<!tpu.dma_semaphore, #tpu.memory_space<semaphore_mem>>
      %dma_start3A_173 = arith.constant 40 : i32
      %dma_start3A_174 = arith.constant 0 : i32
      %dma_start3A_175 = tpu.memref_slice %arg3[%add3A, %dma_start3A_173, %dma_start3A_174] : memref<32x80x125xi32, #tpu.memory_space<hbm>> -> memref<1x40x125xi32, #tpu.memory_space<hbm>>
      %dma_start3A_176 = tpu.memref_squeeze %dma_start3A_175 : memref<1x40x125xi32, #tpu.memory_space<hbm>> -> memref<40x125xi32, #tpu.memory_space<hbm>>
      %dma_start3A_177 = arith.constant 40 : i32
      %dma_start3A_178 = arith.constant 0 : i32
      %dma_start3A_179 = tpu.memref_slice %arg3[%add3A, %dma_start3A_177, %dma_start3A_178] : memref<32x80x125xi32, #tpu.memory_space<hbm>> -> memref<1x40x125xi32, #tpu.memory_space<hbm>>
      %dma_start3A_180 = tpu.memref_squeeze %dma_start3A_179 : memref<1x40x125xi32, #tpu.memory_space<hbm>> -> memref<40x125xi32, #tpu.memory_space<hbm>>
      tpu.enqueue_dma source(%dma_start3A_180 : memref<40x125xi32, #tpu.memory_space<hbm>>) target(%arg7 : memref<40x125xi32, #tpu.memory_space<vmem>>) target_semaphore(%run_scoped3A : memref<!tpu.dma_semaphore, #tpu.memory_space<semaphore_mem>>)
      %dma_wait3A_181 = arith.constant 40 : i32
      %dma_wait3A_182 = arith.constant 0 : i32
      %dma_wait3A_183 = tpu.memref_slice %arg3[%add3A, %dma_wait3A_181, %dma_wait3A_182] : memref<32x80x125xi32, #tpu.memory_space<hbm>> -> memref<1x40x125xi32, #tpu.memory_space<hbm>>
      %dma_wait3A_184 = tpu.memref_squeeze %dma_wait3A_183 : memref<1x40x125xi32, #tpu.memory_space<hbm>> -> memref<40x125xi32, #tpu.memory_space<hbm>>
      %dma_wait3A_185 = arith.constant 40 : i32
      %dma_wait3A_186 = arith.constant 0 : i32
      %dma_wait3A_187 = tpu.memref_slice %arg3[%add3A, %dma_wait3A_185, %dma_wait3A_186] : memref<32x80x125xi32, #tpu.memory_space<hbm>> -> memref<1x40x125xi32, #tpu.memory_space<hbm>>
      %dma_wait3A_188 = tpu.memref_squeeze %dma_wait3A_187 : memref<1x40x125xi32, #tpu.memory_space<hbm>> -> memref<40x125xi32, #tpu.memory_space<hbm>>
      tpu.wait_dma2 semaphore(%run_scoped3A : memref<!tpu.dma_semaphore, #tpu.memory_space<semaphore_mem>>) src(%dma_wait3A_188 : memref<40x125xi32, #tpu.memory_space<hbm>>) dst(%arg7 : memref<40x125xi32, #tpu.memory_space<vmem>>)
      tpu.yield
    }) : () -> ()
    "tpu.region"() ({
      %run_scoped3A = tpu.sem_alloc : memref<!tpu.dma_semaphore, #tpu.memory_space<semaphore_mem>>
      %dma_start3A_173 = arith.constant 40 : i32
      %dma_start3A_174 = arith.constant 0 : i32
      %dma_start3A_175 = tpu.memref_slice %arg4[%add3A, %dma_start3A_173, %dma_start3A_174] : memref<32x80x125xi32, #tpu.memory_space<hbm>> -> memref<1x40x125xi32, #tpu.memory_space<hbm>>
      %dma_start3A_176 = tpu.memref_squeeze %dma_start3A_175 : memref<1x40x125xi32, #tpu.memory_space<hbm>> -> memref<40x125xi32, #tpu.memory_space<hbm>>
      %dma_start3A_177 = arith.constant 40 : i32
      %dma_start3A_178 = arith.constant 0 : i32
      %dma_start3A_179 = tpu.memref_slice %arg4[%add3A, %dma_start3A_177, %dma_start3A_178] : memref<32x80x125xi32, #tpu.memory_space<hbm>> -> memref<1x40x125xi32, #tpu.memory_space<hbm>>
      %dma_start3A_180 = tpu.memref_squeeze %dma_start3A_179 : memref<1x40x125xi32, #tpu.memory_space<hbm>> -> memref<40x125xi32, #tpu.memory_space<hbm>>
      tpu.enqueue_dma source(%dma_start3A_180 : memref<40x125xi32, #tpu.memory_space<hbm>>) target(%arg8 : memref<40x125xi32, #tpu.memory_space<vmem>>) target_semaphore(%run_scoped3A : memref<!tpu.dma_semaphore, #tpu.memory_space<semaphore_mem>>)
      %dma_wait3A_181 = arith.constant 40 : i32
      %dma_wait3A_182 = arith.constant 0 : i32
      %dma_wait3A_183 = tpu.memref_slice %arg4[%add3A, %dma_wait3A_181, %dma_wait3A_182] : memref<32x80x125xi32, #tpu.memory_space<hbm>> -> memref<1x40x125xi32, #tpu.memory_space<hbm>>
      %dma_wait3A_184 = tpu.memref_squeeze %dma_wait3A_183 : memref<1x40x125xi32, #tpu.memory_space<hbm>> -> memref<40x125xi32, #tpu.memory_space<hbm>>
      %dma_wait3A_185 = arith.constant 40 : i32
      %dma_wait3A_186 = arith.constant 0 : i32
      %dma_wait3A_187 = tpu.memref_slice %arg4[%add3A, %dma_wait3A_185, %dma_wait3A_186] : memref<32x80x125xi32, #tpu.memory_space<hbm>> -> memref<1x40x125xi32, #tpu.memory_space<hbm>>
      %dma_wait3A_188 = tpu.memref_squeeze %dma_wait3A_187 : memref<1x40x125xi32, #tpu.memory_space<hbm>> -> memref<40x125xi32, #tpu.memory_space<hbm>>
      tpu.wait_dma2 semaphore(%run_scoped3A : memref<!tpu.dma_semaphore, #tpu.memory_space<semaphore_mem>>) src(%dma_wait3A_188 : memref<40x125xi32, #tpu.memory_space<hbm>>) dst(%arg8 : memref<40x125xi32, #tpu.memory_space<vmem>>)
      tpu.yield
    }) : () -> ()
    %dma_start3A_116 = arith.constant 0 : i32
    %dma_start3A_117 = arith.constant 0 : i32
    %dma_start3A_118 = tpu.memref_slice %arg7[%dma_start3A_116, %dma_start3A_117] : memref<40x125xi32, #tpu.memory_space<vmem>> -> memref<1x125xi32, #tpu.memory_space<vmem>>
    %dma_start3A_119 = tpu.memref_squeeze %dma_start3A_118 : memref<1x125xi32, #tpu.memory_space<vmem>> -> memref<125xi32, #tpu.memory_space<vmem>>
    %dma_start3A_120 = arith.constant 0 : i32
    %dma_start3A_121 = arith.constant 0 : i32
    %dma_start3A_122 = tpu.memref_slice %arg2[%dma_start3A_120, %dma_start3A_121] : memref<10000x128xf32, #tpu.memory_space<hbm>> -> memref<10000x128xf32, #tpu.memory_space<hbm>>
    tpu.enqueue_indirect_dma source(%dma_start3A_122 : memref<10000x128xf32, #tpu.memory_space<hbm>>) target(%arg9 : memref<125x128xf32, #tpu.memory_space<vmem>>) offsets(%dma_start3A_119 : memref<125xi32, #tpu.memory_space<vmem>>) semaphore(%arg14 : memref<!tpu.dma_semaphore, #tpu.memory_space<semaphore_mem>>)
    %dma_start3A_123 = arith.constant 1 : i32
    %dma_start3A_124 = arith.constant 0 : i32
    %dma_start3A_125 = tpu.memref_slice %arg7[%dma_start3A_123, %dma_start3A_124] : memref<40x125xi32, #tpu.memory_space<vmem>> -> memref<1x125xi32, #tpu.memory_space<vmem>>
    %dma_start3A_126 = tpu.memref_squeeze %dma_start3A_125 : memref<1x125xi32, #tpu.memory_space<vmem>> -> memref<125xi32, #tpu.memory_space<vmem>>
    %dma_start3A_127 = arith.constant 0 : i32
    %dma_start3A_128 = arith.constant 0 : i32
    %dma_start3A_129 = tpu.memref_slice %arg2[%dma_start3A_127, %dma_start3A_128] : memref<10000x128xf32, #tpu.memory_space<hbm>> -> memref<10000x128xf32, #tpu.memory_space<hbm>>
    tpu.enqueue_indirect_dma source(%dma_start3A_129 : memref<10000x128xf32, #tpu.memory_space<hbm>>) target(%arg10 : memref<125x128xf32, #tpu.memory_space<vmem>>) offsets(%dma_start3A_126 : memref<125xi32, #tpu.memory_space<vmem>>) semaphore(%arg15 : memref<!tpu.dma_semaphore, #tpu.memory_space<semaphore_mem>>)
    %scan3A_130 = arith.constant 0 : i32
    %scan3A_131 = arith.constant 20 : i32
    %scan3A_132 = arith.addi %scan3A_130, %scan3A_131 : i32
    %scan3A_133 = arith.constant 1 : i32
    scf.for %scan3A_173 = %scan3A_130 to %scan3A_132 step %scan3A_133  : i32 {
      %mul3A_174 = arith.constant 2 : i32
      %mul3A_175 = arith.muli %scan3A_173, %mul3A_174 : i32
      %add3A_176 = arith.constant 0 : i32
      %add3A_177 = arith.addi %add3A_176, %mul3A_175 : i32
      %dma_wait3A_178 = arith.constant 0 : i32
      %dma_wait3A_179 = tpu.memref_slice %arg7[%add3A_177, %dma_wait3A_178] : memref<40x125xi32, #tpu.memory_space<vmem>> -> memref<1x125xi32, #tpu.memory_space<vmem>>
      %dma_wait3A_180 = tpu.memref_squeeze %dma_wait3A_179 : memref<1x125xi32, #tpu.memory_space<vmem>> -> memref<125xi32, #tpu.memory_space<vmem>>
      %dma_wait3A_181 = arith.constant 0 : i32
      %dma_wait3A_182 = arith.constant 0 : i32
      %dma_wait3A_183 = tpu.memref_slice %arg2[%dma_wait3A_181, %dma_wait3A_182] : memref<10000x128xf32, #tpu.memory_space<hbm>> -> memref<10000x128xf32, #tpu.memory_space<hbm>>
      tpu.wait_indirect_dma semaphore(%arg14 : memref<!tpu.dma_semaphore, #tpu.memory_space<semaphore_mem>>) src(%dma_wait3A_183 : memref<10000x128xf32, #tpu.memory_space<hbm>>) dst(%arg9 : memref<125x128xf32, #tpu.memory_space<vmem>>)
      "tpu.region"() ({
        %run_scoped3A = tpu.sem_alloc : memref<!tpu.dma_semaphore, #tpu.memory_space<semaphore_mem>>
        %dma_start3A_221 = arith.constant 0 : i32
        %dma_start3A_222 = tpu.memref_slice %arg8[%add3A_177, %dma_start3A_221] : memref<40x125xi32, #tpu.memory_space<vmem>> -> memref<1x125xi32, #tpu.memory_space<vmem>>
        %dma_start3A_223 = tpu.memref_squeeze %dma_start3A_222 : memref<1x125xi32, #tpu.memory_space<vmem>> -> memref<125xi32, #tpu.memory_space<vmem>>
        %dma_start3A_224 = arith.constant 0 : i32
        %dma_start3A_225 = arith.constant 0 : i32
        %dma_start3A_226 = tpu.memref_slice %arg19[%dma_start3A_224, %dma_start3A_225] : memref<10240x128xf32, #tpu.memory_space<vmem_shared>> -> memref<10240x128xf32, #tpu.memory_space<vmem_shared>>
        tpu.enqueue_indirect_dma source(%arg9 : memref<125x128xf32, #tpu.memory_space<vmem>>) target(%dma_start3A_226 : memref<10240x128xf32, #tpu.memory_space<vmem_shared>>) offsets(%dma_start3A_223 : memref<125xi32, #tpu.memory_space<vmem>>) semaphore(%run_scoped3A : memref<!tpu.dma_semaphore, #tpu.memory_space<semaphore_mem>>) {add = true}
        %dma_wait3A_227 = arith.constant 0 : i32
        %dma_wait3A_228 = tpu.memref_slice %arg8[%add3A_177, %dma_wait3A_227] : memref<40x125xi32, #tpu.memory_space<vmem>> -> memref<1x125xi32, #tpu.memory_space<vmem>>
        %dma_wait3A_229 = tpu.memref_squeeze %dma_wait3A_228 : memref<1x125xi32, #tpu.memory_space<vmem>> -> memref<125xi32, #tpu.memory_space<vmem>>
        %dma_wait3A_230 = arith.constant 0 : i32
        %dma_wait3A_231 = arith.constant 0 : i32
        %dma_wait3A_232 = tpu.memref_slice %arg19[%dma_wait3A_230, %dma_wait3A_231] : memref<10240x128xf32, #tpu.memory_space<vmem_shared>> -> memref<10240x128xf32, #tpu.memory_space<vmem_shared>>
        tpu.wait_indirect_dma semaphore(%run_scoped3A : memref<!tpu.dma_semaphore, #tpu.memory_space<semaphore_mem>>) src(%arg9 : memref<125x128xf32, #tpu.memory_space<vmem>>) dst(%dma_wait3A_232 : memref<10240x128xf32, #tpu.memory_space<vmem_shared>>)
        tpu.yield
      }) : () -> ()
      %dma_start3A_184 = arith.constant 0 : i32
      %dma_start3A_185 = tpu.memref_slice %arg11[%dma_start3A_184] : memref<128xf32, #tpu.memory_space<vmem>> -> memref<125xf32, #tpu.memory_space<vmem>>
      %dma_start3A_186 = arith.constant 0 : i32
      %dma_start3A_187 = tpu.memref_slice %arg8[%add3A_177, %dma_start3A_186] : memref<40x125xi32, #tpu.memory_space<vmem>> -> memref<1x125xi32, #tpu.memory_space<vmem>>
      %dma_start3A_188 = tpu.memref_squeeze %dma_start3A_187 : memref<1x125xi32, #tpu.memory_space<vmem>> -> memref<125xi32, #tpu.memory_space<vmem>>
      %dma_start3A_189 = arith.constant 0 : i32
      %dma_start3A_190 = tpu.memref_slice %arg20[%dma_start3A_189] : memref<10240xf32, #tpu.memory_space<vmem_shared>> -> memref<10240xf32, #tpu.memory_space<vmem_shared>>
      tpu.enqueue_indirect_dma source(%dma_start3A_185 : memref<125xf32, #tpu.memory_space<vmem>>) target(%dma_start3A_190 : memref<10240xf32, #tpu.memory_space<vmem_shared>>) offsets(%dma_start3A_188 : memref<125xi32, #tpu.memory_space<vmem>>) semaphore(%arg18 : memref<!tpu.dma_semaphore, #tpu.memory_space<semaphore_mem>>) {add = true}
      %add3A_191 = arith.constant 2 : i32
      %add3A_192 = arith.addi %add3A_177, %add3A_191 : i32
      %lt3A = arith.constant 40 : i32
      %lt3A_193 = arith.cmpi slt, %add3A_192, %lt3A : i32
      %convert_element_type3A = arith.extui %lt3A_193 : i1 to i32
      %cond3A = arith.constant 0 : i32
      %cond3A_194 = arith.cmpi ne, %convert_element_type3A, %cond3A : i32
      scf.if %cond3A_194 {
        %add3A_221 = arith.constant 2 : i32
        %add3A_222 = arith.addi %add3A_177, %add3A_221 : i32
        %dma_start3A_223 = arith.constant 0 : i32
        %dma_start3A_224 = tpu.memref_slice %arg7[%add3A_222, %dma_start3A_223] : memref<40x125xi32, #tpu.memory_space<vmem>> -> memref<1x125xi32, #tpu.memory_space<vmem>>
        %dma_start3A_225 = tpu.memref_squeeze %dma_start3A_224 : memref<1x125xi32, #tpu.memory_space<vmem>> -> memref<125xi32, #tpu.memory_space<vmem>>
        %dma_start3A_226 = arith.constant 0 : i32
        %dma_start3A_227 = arith.constant 0 : i32
        %dma_start3A_228 = tpu.memref_slice %arg2[%dma_start3A_226, %dma_start3A_227] : memref<10000x128xf32, #tpu.memory_space<hbm>> -> memref<10000x128xf32, #tpu.memory_space<hbm>>
        tpu.enqueue_indirect_dma source(%dma_start3A_228 : memref<10000x128xf32, #tpu.memory_space<hbm>>) target(%arg9 : memref<125x128xf32, #tpu.memory_space<vmem>>) offsets(%dma_start3A_225 : memref<125xi32, #tpu.memory_space<vmem>>) semaphore(%arg14 : memref<!tpu.dma_semaphore, #tpu.memory_space<semaphore_mem>>)
      } else {
      }
      %add3A_195 = arith.constant 1 : i32
      %add3A_196 = arith.addi %add3A_177, %add3A_195 : i32
      %dma_wait3A_197 = arith.constant 0 : i32
      %dma_wait3A_198 = tpu.memref_slice %arg7[%add3A_196, %dma_wait3A_197] : memref<40x125xi32, #tpu.memory_space<vmem>> -> memref<1x125xi32, #tpu.memory_space<vmem>>
      %dma_wait3A_199 = tpu.memref_squeeze %dma_wait3A_198 : memref<1x125xi32, #tpu.memory_space<vmem>> -> memref<125xi32, #tpu.memory_space<vmem>>
      %dma_wait3A_200 = arith.constant 0 : i32
      %dma_wait3A_201 = arith.constant 0 : i32
      %dma_wait3A_202 = tpu.memref_slice %arg2[%dma_wait3A_200, %dma_wait3A_201] : memref<10000x128xf32, #tpu.memory_space<hbm>> -> memref<10000x128xf32, #tpu.memory_space<hbm>>
      tpu.wait_indirect_dma semaphore(%arg15 : memref<!tpu.dma_semaphore, #tpu.memory_space<semaphore_mem>>) src(%dma_wait3A_202 : memref<10000x128xf32, #tpu.memory_space<hbm>>) dst(%arg10 : memref<125x128xf32, #tpu.memory_space<vmem>>)
      %add3A_203 = arith.constant 1 : i32
      %add3A_204 = arith.addi %add3A_177, %add3A_203 : i32
      "tpu.region"() ({
        %run_scoped3A = tpu.sem_alloc : memref<!tpu.dma_semaphore, #tpu.memory_space<semaphore_mem>>
        %dma_start3A_221 = arith.constant 0 : i32
        %dma_start3A_222 = tpu.memref_slice %arg8[%add3A_204, %dma_start3A_221] : memref<40x125xi32, #tpu.memory_space<vmem>> -> memref<1x125xi32, #tpu.memory_space<vmem>>
        %dma_start3A_223 = tpu.memref_squeeze %dma_start3A_222 : memref<1x125xi32, #tpu.memory_space<vmem>> -> memref<125xi32, #tpu.memory_space<vmem>>
        %dma_start3A_224 = arith.constant 0 : i32
        %dma_start3A_225 = arith.constant 0 : i32
        %dma_start3A_226 = tpu.memref_slice %arg19[%dma_start3A_224, %dma_start3A_225] : memref<10240x128xf32, #tpu.memory_space<vmem_shared>> -> memref<10240x128xf32, #tpu.memory_space<vmem_shared>>
        tpu.enqueue_indirect_dma source(%arg10 : memref<125x128xf32, #tpu.memory_space<vmem>>) target(%dma_start3A_226 : memref<10240x128xf32, #tpu.memory_space<vmem_shared>>) offsets(%dma_start3A_223 : memref<125xi32, #tpu.memory_space<vmem>>) semaphore(%run_scoped3A : memref<!tpu.dma_semaphore, #tpu.memory_space<semaphore_mem>>) {add = true}
        %dma_wait3A_227 = arith.constant 0 : i32
        %dma_wait3A_228 = tpu.memref_slice %arg8[%add3A_204, %dma_wait3A_227] : memref<40x125xi32, #tpu.memory_space<vmem>> -> memref<1x125xi32, #tpu.memory_space<vmem>>
        %dma_wait3A_229 = tpu.memref_squeeze %dma_wait3A_228 : memref<1x125xi32, #tpu.memory_space<vmem>> -> memref<125xi32, #tpu.memory_space<vmem>>
        %dma_wait3A_230 = arith.constant 0 : i32
        %dma_wait3A_231 = arith.constant 0 : i32
        %dma_wait3A_232 = tpu.memref_slice %arg19[%dma_wait3A_230, %dma_wait3A_231] : memref<10240x128xf32, #tpu.memory_space<vmem_shared>> -> memref<10240x128xf32, #tpu.memory_space<vmem_shared>>
        tpu.wait_indirect_dma semaphore(%run_scoped3A : memref<!tpu.dma_semaphore, #tpu.memory_space<semaphore_mem>>) src(%arg10 : memref<125x128xf32, #tpu.memory_space<vmem>>) dst(%dma_wait3A_232 : memref<10240x128xf32, #tpu.memory_space<vmem_shared>>)
        tpu.yield
      }) : () -> ()
      %add3A_205 = arith.constant 1 : i32
      %add3A_206 = arith.addi %add3A_177, %add3A_205 : i32
      %dma_start3A_207 = arith.constant 0 : i32
      %dma_start3A_208 = tpu.memref_slice %arg11[%dma_start3A_207] : memref<128xf32, #tpu.memory_space<vmem>> -> memref<125xf32, #tpu.memory_space<vmem>>
      %dma_start3A_209 = arith.constant 0 : i32
      %dma_start3A_210 = tpu.memref_slice %arg8[%add3A_206, %dma_start3A_209] : memref<40x125xi32, #tpu.memory_space<vmem>> -> memref<1x125xi32, #tpu.memory_space<vmem>>
      %dma_start3A_211 = tpu.memref_squeeze %dma_start3A_210 : memref<1x125xi32, #tpu.memory_space<vmem>> -> memref<125xi32, #tpu.memory_space<vmem>>
      %dma_start3A_212 = arith.constant 0 : i32
      %dma_start3A_213 = tpu.memref_slice %arg20[%dma_start3A_212] : memref<10240xf32, #tpu.memory_space<vmem_shared>> -> memref<10240xf32, #tpu.memory_space<vmem_shared>>
      tpu.enqueue_indirect_dma source(%dma_start3A_208 : memref<125xf32, #tpu.memory_space<vmem>>) target(%dma_start3A_213 : memref<10240xf32, #tpu.memory_space<vmem_shared>>) offsets(%dma_start3A_211 : memref<125xi32, #tpu.memory_space<vmem>>) semaphore(%arg18 : memref<!tpu.dma_semaphore, #tpu.memory_space<semaphore_mem>>) {add = true}
      %add3A_214 = arith.constant 3 : i32
      %add3A_215 = arith.addi %add3A_177, %add3A_214 : i32
      %lt3A_216 = arith.constant 40 : i32
      %lt3A_217 = arith.cmpi slt, %add3A_215, %lt3A_216 : i32
      %convert_element_type3A_218 = arith.extui %lt3A_217 : i1 to i32
      %cond3A_219 = arith.constant 0 : i32
      %cond3A_220 = arith.cmpi ne, %convert_element_type3A_218, %cond3A_219 : i32
      scf.if %cond3A_220 {
        %add3A_221 = arith.constant 3 : i32
        %add3A_222 = arith.addi %add3A_177, %add3A_221 : i32
        %dma_start3A_223 = arith.constant 0 : i32
        %dma_start3A_224 = tpu.memref_slice %arg7[%add3A_222, %dma_start3A_223] : memref<40x125xi32, #tpu.memory_space<vmem>> -> memref<1x125xi32, #tpu.memory_space<vmem>>
        %dma_start3A_225 = tpu.memref_squeeze %dma_start3A_224 : memref<1x125xi32, #tpu.memory_space<vmem>> -> memref<125xi32, #tpu.memory_space<vmem>>
        %dma_start3A_226 = arith.constant 0 : i32
        %dma_start3A_227 = arith.constant 0 : i32
        %dma_start3A_228 = tpu.memref_slice %arg2[%dma_start3A_226, %dma_start3A_227] : memref<10000x128xf32, #tpu.memory_space<hbm>> -> memref<10000x128xf32, #tpu.memory_space<hbm>>
        tpu.enqueue_indirect_dma source(%dma_start3A_228 : memref<10000x128xf32, #tpu.memory_space<hbm>>) target(%arg10 : memref<125x128xf32, #tpu.memory_space<vmem>>) offsets(%dma_start3A_225 : memref<125xi32, #tpu.memory_space<vmem>>) semaphore(%arg15 : memref<!tpu.dma_semaphore, #tpu.memory_space<semaphore_mem>>)
      } else {
      }
    }
    %scan3A_134 = arith.constant 20 : i32
    %scan3A_135 = arith.constant 0 : i32
    %scan3A_136 = arith.constant 40 : i32
    %scan3A_137 = arith.addi %scan3A_135, %scan3A_136 : i32
    %scan3A_138 = arith.constant 1 : i32
    scf.for %scan3A_173 = %scan3A_135 to %scan3A_137 step %scan3A_138  : i32 {
      %mul3A_174 = arith.constant 1 : i32
      %mul3A_175 = arith.muli %scan3A_173, %mul3A_174 : i32
      %add3A_176 = arith.constant 0 : i32
      %add3A_177 = arith.addi %add3A_176, %mul3A_175 : i32
      %dma_wait3A_178 = arith.constant 0 : i32
      %dma_wait3A_179 = tpu.memref_slice %arg11[%dma_wait3A_178] : memref<128xf32, #tpu.memory_space<vmem>> -> memref<125xf32, #tpu.memory_space<vmem>>
      %dma_wait3A_180 = arith.constant 0 : i32
      %dma_wait3A_181 = tpu.memref_slice %arg8[%add3A_177, %dma_wait3A_180] : memref<40x125xi32, #tpu.memory_space<vmem>> -> memref<1x125xi32, #tpu.memory_space<vmem>>
      %dma_wait3A_182 = tpu.memref_squeeze %dma_wait3A_181 : memref<1x125xi32, #tpu.memory_space<vmem>> -> memref<125xi32, #tpu.memory_space<vmem>>
      %dma_wait3A_183 = arith.constant 0 : i32
      %dma_wait3A_184 = tpu.memref_slice %arg20[%dma_wait3A_183] : memref<10240xf32, #tpu.memory_space<vmem_shared>> -> memref<10240xf32, #tpu.memory_space<vmem_shared>>
      tpu.wait_indirect_dma semaphore(%arg18 : memref<!tpu.dma_semaphore, #tpu.memory_space<semaphore_mem>>) src(%dma_wait3A_179 : memref<125xf32, #tpu.memory_space<vmem>>) dst(%dma_wait3A_184 : memref<10240xf32, #tpu.memory_space<vmem_shared>>)
    }
    %scan3A_139 = arith.constant 40 : i32
    %barrier3A_140 = arith.constant 0 : index
    tpu.barrier barrier_id(%barrier3A_140)
    %mul3A_141 = arith.constant 640 : i32
    %mul3A_142 = arith.muli %arg1, %mul3A_141 : i32
    %mul3A_143 = arith.constant 640 : i32
    %mul3A_144 = arith.muli %arg1, %mul3A_143 : i32
    %dma_start3A_145 = arith.constant 0 : i32
    %dma_start3A_146 = tpu.memref_slice %arg5[%arg0, %mul3A_144, %dma_start3A_145] : memref<2x10240x128xf32, #tpu.memory_space<hbm>> -> memref<1x640x128xf32, #tpu.memory_space<hbm>>
    %dma_start3A_147 = tpu.memref_squeeze %dma_start3A_146 : memref<1x640x128xf32, #tpu.memory_space<hbm>> -> memref<640x128xf32, #tpu.memory_space<hbm>>
    %dma_start3A_148 = arith.constant 0 : i32
    %dma_start3A_149 = tpu.memref_slice %arg19[%mul3A_142, %dma_start3A_148] : memref<10240x128xf32, #tpu.memory_space<vmem_shared>> -> memref<640x128xf32, #tpu.memory_space<vmem_shared>>
    tpu.enqueue_dma source(%dma_start3A_149 : memref<640x128xf32, #tpu.memory_space<vmem_shared>>) target(%dma_start3A_147 : memref<640x128xf32, #tpu.memory_space<hbm>>) target_semaphore(%arg14 : memref<!tpu.dma_semaphore, #tpu.memory_space<semaphore_mem>>)
    %mul3A_150 = arith.constant 640 : i32
    %mul3A_151 = arith.muli %arg1, %mul3A_150 : i32
    %mul3A_152 = arith.constant 640 : i32
    %mul3A_153 = arith.muli %arg1, %mul3A_152 : i32
    %dma_start3A_154 = tpu.memref_slice %arg6[%arg0, %mul3A_153] : memref<2x10240xf32, #tpu.memory_space<hbm>> -> memref<1x640xf32, #tpu.memory_space<hbm>>
    %dma_start3A_155 = tpu.memref_squeeze %dma_start3A_154 : memref<1x640xf32, #tpu.memory_space<hbm>> -> memref<640xf32, #tpu.memory_space<hbm>>
    %dma_start3A_156 = tpu.memref_slice %arg20[%mul3A_151] : memref<10240xf32, #tpu.memory_space<vmem_shared>> -> memref<640xf32, #tpu.memory_space<vmem_shared>>
    tpu.enqueue_dma source(%dma_start3A_156 : memref<640xf32, #tpu.memory_space<vmem_shared>>) target(%dma_start3A_155 : memref<640xf32, #tpu.memory_space<hbm>>) target_semaphore(%arg15 : memref<!tpu.dma_semaphore, #tpu.memory_space<semaphore_mem>>)
    %mul3A_157 = arith.constant 640 : i32
    %mul3A_158 = arith.muli %arg1, %mul3A_157 : i32
    %mul3A_159 = arith.constant 640 : i32
    %mul3A_160 = arith.muli %arg1, %mul3A_159 : i32
    %dma_wait3A_161 = arith.constant 0 : i32
    %dma_wait3A_162 = tpu.memref_slice %arg5[%arg0, %mul3A_160, %dma_wait3A_161] : memref<2x10240x128xf32, #tpu.memory_space<hbm>> -> memref<1x640x128xf32, #tpu.memory_space<hbm>>
    %dma_wait3A_163 = tpu.memref_squeeze %dma_wait3A_162 : memref<1x640x128xf32, #tpu.memory_space<hbm>> -> memref<640x128xf32, #tpu.memory_space<hbm>>
    %dma_wait3A_164 = arith.constant 0 : i32
    %dma_wait3A_165 = tpu.memref_slice %arg19[%mul3A_158, %dma_wait3A_164] : memref<10240x128xf32, #tpu.memory_space<vmem_shared>> -> memref<640x128xf32, #tpu.memory_space<vmem_shared>>
    tpu.wait_dma2 semaphore(%arg14 : memref<!tpu.dma_semaphore, #tpu.memory_space<semaphore_mem>>) src(%dma_wait3A_165 : memref<640x128xf32, #tpu.memory_space<vmem_shared>>) dst(%dma_wait3A_163 : memref<640x128xf32, #tpu.memory_space<hbm>>)
    %mul3A_166 = arith.constant 640 : i32
    %mul3A_167 = arith.muli %arg1, %mul3A_166 : i32
    %mul3A_168 = arith.constant 640 : i32
    %mul3A_169 = arith.muli %arg1, %mul3A_168 : i32
    %dma_wait3A_170 = tpu.memref_slice %arg6[%arg0, %mul3A_169] : memref<2x10240xf32, #tpu.memory_space<hbm>> -> memref<1x640xf32, #tpu.memory_space<hbm>>
    %dma_wait3A_171 = tpu.memref_squeeze %dma_wait3A_170 : memref<1x640xf32, #tpu.memory_space<hbm>> -> memref<640xf32, #tpu.memory_space<hbm>>
    %dma_wait3A_172 = tpu.memref_slice %arg20[%mul3A_167] : memref<10240xf32, #tpu.memory_space<vmem_shared>> -> memref<640xf32, #tpu.memory_space<vmem_shared>>
    tpu.wait_dma2 semaphore(%arg15 : memref<!tpu.dma_semaphore, #tpu.memory_space<semaphore_mem>>) src(%dma_wait3A_172 : memref<640xf32, #tpu.memory_space<vmem_shared>>) dst(%dma_wait3A_171 : memref<640xf32, #tpu.memory_space<hbm>>)
    return
  }
}

module attributes {stable_mosaic.version = 14 : i64} {
  func.func @_tc_kernel(%arg0: memref<2x10240x128xf32, #tpu.memory_space<vmem>>, %arg1: memref<2x10240xf32, #tpu.memory_space<vmem>>, %arg2: memref<10000x128xf32, #tpu.memory_space<vmem>>, %arg3: memref<128x128xf32, #tpu.memory_space<vmem>>, %arg4: memref<128x128xf32, #tpu.memory_space<vmem>>, %arg5: memref<1x128xf32, #tpu.memory_space<vmem>>, %arg6: memref<1x10000xi32, #tpu.memory_space<vmem>>, %arg7: memref<1x128xf32, #tpu.memory_space<vmem>>, %arg8: memref<1x128xf32, #tpu.memory_space<vmem>>, %arg9: memref<1x128xf32, #tpu.memory_space<vmem>>, %arg10: memref<10000x128xf32, #tpu.memory_space<vmem>>) attributes {dimension_semantics = [], scalar_prefetch = 0 : i64, scratch_operands = 0 : i64, tpu.core_type = #tpu.core_type<tc>} {
    %get3A = arith.constant 0 : index
    %get3A_0 = arith.constant 0 : index
    %get3A_1 = arith.constant 0 : index
    %get3A_2 = vector.load %arg0[%get3A, %get3A_0, %get3A_1] : memref<2x10240x128xf32, #tpu.memory_space<vmem>>, vector<1x10000x128xf32>
    %get3A_3 = vector.shape_cast %get3A_2 : vector<1x10000x128xf32> to vector<10000x128xf32>
    %get3A_4 = arith.constant 1 : index
    %get3A_5 = arith.constant 0 : index
    %get3A_6 = arith.constant 0 : index
    %get3A_7 = vector.load %arg0[%get3A_4, %get3A_5, %get3A_6] : memref<2x10240x128xf32, #tpu.memory_space<vmem>>, vector<1x10000x128xf32>
    %get3A_8 = vector.shape_cast %get3A_7 : vector<1x10000x128xf32> to vector<10000x128xf32>
    %add3A = arith.addf %get3A_3, %get3A_8 : vector<10000x128xf32>
    %get3A_9 = arith.constant 0 : index
    %get3A_10 = arith.constant 0 : index
    %get3A_11 = vector.load %arg1[%get3A_9, %get3A_10] : memref<2x10240xf32, #tpu.memory_space<vmem>>, vector<1x10000xf32>
    %get3A_12 = arith.constant 1 : index
    %get3A_13 = arith.constant 0 : index
    %get3A_14 = vector.load %arg1[%get3A_12, %get3A_13] : memref<2x10240xf32, #tpu.memory_space<vmem>>, vector<1x10000xf32>
    %add3A_15 = arith.addf %get3A_11, %get3A_14 : vector<1x10000xf32>
    %get3A_16 = arith.constant 0 : index
    %get3A_17 = arith.constant 0 : index
    %get3A_18 = vector.load %arg2[%get3A_16, %get3A_17] : memref<10000x128xf32, #tpu.memory_space<vmem>>, vector<10000x128xf32>
    %max3A = arith.constant 1.000000e+00 : f32
    %max3A_19 = vector.broadcast %max3A : f32 to vector<1x10000xf32>
    %max3A_20 = arith.maximumf %add3A_15, %max3A_19 : vector<1x10000xf32>
    %div3A = arith.constant 1.000000e+00 : f32
    %div3A_21 = vector.broadcast %div3A : f32 to vector<1x10000xf32>
    %div3A_22 = arith.divf %div3A_21, %max3A_20 : vector<1x10000xf32>
    %transpose3A = tpu.transpose %div3A_22, [1, 0] : vector<1x10000xf32> -> vector<10000x1xf32>
    %mul3A = vector.broadcast %transpose3A : vector<10000x1xf32> to vector<10000x128xf32>
    %mul3A_23 = arith.mulf %add3A, %mul3A : vector<10000x128xf32>
    %convert_element_type3A = arith.truncf %mul3A_23 : vector<10000x128xf32> to vector<10000x128xbf16>
    %get3A_24 = arith.constant 0 : index
    %get3A_25 = arith.constant 0 : index
    %get3A_26 = vector.load %arg3[%get3A_24, %get3A_25] : memref<128x128xf32, #tpu.memory_space<vmem>>, vector<128x128xf32>
    %convert_element_type3A_27 = arith.truncf %get3A_26 : vector<128x128xf32> to vector<128x128xbf16>
    %dot_general3A = arith.constant dense<0.000000e+00> : vector<10000x128xf32>
    %dot_general3A_28 = tpu.matmul %convert_element_type3A, %convert_element_type3A_27, %dot_general3A {dimension_numbers = #tpu.dot_dimension_numbers<[1], [0], [0], [1], [0, 0, 1, 1], [], []>, transpose_lhs_hint = false} : vector<10000x128xbf16>, vector<128x128xbf16>, vector<10000x128xf32> -> vector<10000x128xf32>
    %convert_element_type3A_29 = arith.truncf %get3A_18 : vector<10000x128xf32> to vector<10000x128xbf16>
    %get3A_30 = arith.constant 0 : index
    %get3A_31 = arith.constant 0 : index
    %get3A_32 = vector.load %arg4[%get3A_30, %get3A_31] : memref<128x128xf32, #tpu.memory_space<vmem>>, vector<128x128xf32>
    %convert_element_type3A_33 = arith.truncf %get3A_32 : vector<128x128xf32> to vector<128x128xbf16>
    %dot_general3A_34 = arith.constant dense<0.000000e+00> : vector<10000x128xf32>
    %dot_general3A_35 = tpu.matmul %convert_element_type3A_29, %convert_element_type3A_33, %dot_general3A_34 {dimension_numbers = #tpu.dot_dimension_numbers<[1], [0], [0], [1], [0, 0, 1, 1], [], []>, transpose_lhs_hint = false} : vector<10000x128xbf16>, vector<128x128xbf16>, vector<10000x128xf32> -> vector<10000x128xf32>
    %add3A_36 = arith.addf %dot_general3A_28, %dot_general3A_35 : vector<10000x128xf32>
    %get3A_37 = arith.constant 0 : index
    %get3A_38 = arith.constant 0 : index
    %get3A_39 = vector.load %arg5[%get3A_37, %get3A_38] : memref<1x128xf32, #tpu.memory_space<vmem>>, vector<1x128xf32>
    %add3A_40 = vector.broadcast %get3A_39 : vector<1x128xf32> to vector<10000x128xf32>
    %add3A_41 = arith.addf %add3A_36, %add3A_40 : vector<10000x128xf32>
    %mul3A_42 = arith.constant 5.000000e-01 : f32
    %mul3A_43 = vector.broadcast %mul3A_42 : f32 to vector<10000x128xf32>
    %mul3A_44 = arith.mulf %mul3A_43, %add3A_41 : vector<10000x128xf32>
    %mul3A_45 = arith.constant 0.707106769 : f32
    %mul3A_46 = vector.broadcast %mul3A_45 : f32 to vector<10000x128xf32>
    %mul3A_47 = arith.mulf %add3A_41, %mul3A_46 : vector<10000x128xf32>
    %erf3A = math.erf %mul3A_47 : vector<10000x128xf32>
    %add3A_48 = arith.constant 1.000000e+00 : f32
    %add3A_49 = vector.broadcast %add3A_48 : f32 to vector<10000x128xf32>
    %add3A_50 = arith.addf %add3A_49, %erf3A : vector<10000x128xf32>
    %mul3A_51 = arith.mulf %mul3A_44, %add3A_50 : vector<10000x128xf32>
    %get3A_52 = arith.constant 0 : index
    %get3A_53 = arith.constant 0 : index
    %get3A_54 = vector.load %arg6[%get3A_52, %get3A_53] : memref<1x10000xi32, #tpu.memory_space<vmem>>, vector<1x10000xi32>
    %iota3A = tpu.iota {dimensions = array<i32: 0>} : vector<8x10000xi32>
    %eq3A = vector.broadcast %get3A_54 : vector<1x10000xi32> to vector<8x10000xi32>
    %eq3A_55 = arith.cmpi eq, %iota3A, %eq3A : vector<8x10000xi32>
    %convert_element_type3A_56 = arith.extui %eq3A_55 : vector<8x10000xi1> to vector<8x10000xi32>
    %convert_element_type3A_57 = arith.sitofp %convert_element_type3A_56 : vector<8x10000xi32> to vector<8x10000xf32>
    %reduce_sum3A = arith.constant dense<0.000000e+00> : vector<8xf32>
    %reduce_sum3A_58 = vector.multi_reduction <add>, %convert_element_type3A_57, %reduce_sum3A [1] : vector<8x10000xf32> to vector<8xf32>
    %broadcast_in_dim3A = vector.shape_cast %reduce_sum3A_58 : vector<8xf32> to vector<8x1xf32>
    %max3A_59 = arith.constant 1.000000e+00 : f32
    %max3A_60 = vector.broadcast %max3A_59 : f32 to vector<8x1xf32>
    %max3A_61 = arith.maximumf %broadcast_in_dim3A, %max3A_60 : vector<8x1xf32>
    %dot_general3A_62 = arith.constant dense<0.000000e+00> : vector<8x128xf32>
    %dot_general3A_63 = tpu.matmul %convert_element_type3A_57, %mul3A_51, %dot_general3A_62 {dimension_numbers = #tpu.dot_dimension_numbers<[1], [0], [0], [1], [0, 0, 1, 1], [], []>, transpose_lhs_hint = false} : vector<8x10000xf32>, vector<10000x128xf32>, vector<8x128xf32> -> vector<8x128xf32>
    %mul3A_64 = arith.mulf %mul3A_51, %mul3A_51 : vector<10000x128xf32>
    %dot_general3A_65 = arith.constant dense<0.000000e+00> : vector<8x128xf32>
    %dot_general3A_66 = tpu.matmul %convert_element_type3A_57, %mul3A_64, %dot_general3A_65 {dimension_numbers = #tpu.dot_dimension_numbers<[1], [0], [0], [1], [0, 0, 1, 1], [], []>, transpose_lhs_hint = false} : vector<8x10000xf32>, vector<10000x128xf32>, vector<8x128xf32> -> vector<8x128xf32>
    %div3A_67 = vector.broadcast %max3A_61 : vector<8x1xf32> to vector<8x128xf32>
    %div3A_68 = arith.divf %dot_general3A_63, %div3A_67 : vector<8x128xf32>
    %get3A_69 = arith.constant 0 : index
    %get3A_70 = arith.constant 0 : index
    %get3A_71 = vector.load %arg9[%get3A_69, %get3A_70] : memref<1x128xf32, #tpu.memory_space<vmem>>, vector<1x128xf32>
    %div3A_72 = vector.broadcast %max3A_61 : vector<8x1xf32> to vector<8x128xf32>
    %div3A_73 = arith.divf %dot_general3A_66, %div3A_72 : vector<8x128xf32>
    %mul3A_74 = arith.constant 2.000000e+00 : f32
    %mul3A_75 = vector.broadcast %mul3A_74 : f32 to vector<1x128xf32>
    %mul3A_76 = arith.mulf %mul3A_75, %get3A_71 : vector<1x128xf32>
    %mul3A_77 = arith.mulf %get3A_71, %get3A_71 : vector<1x128xf32>
    %sub3A = arith.subf %mul3A_76, %mul3A_77 : vector<1x128xf32>
    %mul3A_78 = vector.broadcast %sub3A : vector<1x128xf32> to vector<8x128xf32>
    %mul3A_79 = arith.mulf %mul3A_78, %div3A_68 : vector<8x128xf32>
    %mul3A_80 = arith.mulf %mul3A_79, %div3A_68 : vector<8x128xf32>
    %sub3A_81 = arith.subf %div3A_73, %mul3A_80 : vector<8x128xf32>
    %dot_general3A_82 = arith.constant dense<0.000000e+00> : vector<10000x128xf32>
    %dot_general3A_83 = tpu.matmul %convert_element_type3A_57, %div3A_68, %dot_general3A_82 {dimension_numbers = #tpu.dot_dimension_numbers<[0], [0], [1], [1], [0, 1, 1, 1], [], []>, transpose_lhs_hint = false} : vector<8x10000xf32>, vector<8x128xf32>, vector<10000x128xf32> -> vector<10000x128xf32>
    %dot_general3A_84 = arith.constant dense<0.000000e+00> : vector<10000x128xf32>
    %dot_general3A_85 = tpu.matmul %convert_element_type3A_57, %sub3A_81, %dot_general3A_84 {dimension_numbers = #tpu.dot_dimension_numbers<[0], [0], [1], [1], [0, 1, 1, 1], [], []>, transpose_lhs_hint = false} : vector<8x10000xf32>, vector<8x128xf32>, vector<10000x128xf32> -> vector<10000x128xf32>
    %mul3A_86 = vector.broadcast %get3A_71 : vector<1x128xf32> to vector<10000x128xf32>
    %mul3A_87 = arith.mulf %mul3A_86, %dot_general3A_83 : vector<10000x128xf32>
    %sub3A_88 = arith.subf %mul3A_51, %mul3A_87 : vector<10000x128xf32>
    %add3A_89 = arith.constant 9.99999974E-6 : f32
    %add3A_90 = vector.broadcast %add3A_89 : f32 to vector<10000x128xf32>
    %add3A_91 = arith.addf %dot_general3A_85, %add3A_90 : vector<10000x128xf32>
    %rsqrt3A = math.rsqrt %add3A_91 : vector<10000x128xf32>
    %mul3A_92 = arith.mulf %sub3A_88, %rsqrt3A : vector<10000x128xf32>
    %get3A_93 = arith.constant 0 : index
    %get3A_94 = arith.constant 0 : index
    %get3A_95 = vector.load %arg7[%get3A_93, %get3A_94] : memref<1x128xf32, #tpu.memory_space<vmem>>, vector<1x128xf32>
    %mul3A_96 = vector.broadcast %get3A_95 : vector<1x128xf32> to vector<10000x128xf32>
    %mul3A_97 = arith.mulf %mul3A_96, %mul3A_92 : vector<10000x128xf32>
    %get3A_98 = arith.constant 0 : index
    %get3A_99 = arith.constant 0 : index
    %get3A_100 = vector.load %arg8[%get3A_98, %get3A_99] : memref<1x128xf32, #tpu.memory_space<vmem>>, vector<1x128xf32>
    %add3A_101 = vector.broadcast %get3A_100 : vector<1x128xf32> to vector<10000x128xf32>
    %add3A_102 = arith.addf %mul3A_97, %add3A_101 : vector<10000x128xf32>
    %add3A_103 = arith.addf %add3A_102, %get3A_18 : vector<10000x128xf32>
    %swap3A = arith.constant 0 : index
    %swap3A_104 = arith.constant 0 : index
    %swap3A_105 = vector.load %arg10[%swap3A, %swap3A_104] : memref<10000x128xf32, #tpu.memory_space<vmem>>, vector<10000x128xf32>
    tpu.vector_store %arg10[%swap3A, %swap3A_104], %add3A_103 {strides = array<i32>} : memref<10000x128xf32, #tpu.memory_space<vmem>>, vector<10000x128xf32>,
    return
  }
}

</mosaic_0001>

<sc_bundles>
// kernel: kernel.4.cloned.1.call-start
scs
__scs_entry_jumppad:
0x0: {  	(pc) =	sbr.rel $0x88, $3  }
0x1: {  	(tag) =	ssettag $0x0;
	lr =	simm.s32 $0x1  }
0x2: {  	[smem:$0x3F98] =	sst lr;
	_ =	strace $0xD0000000  }
0x3: {  	_ = 	snop  }
0x4: {  	_ = 	snop  }
0x5: {  	_ = 	snop  }
0x6: {  	_ = 	snop  }
0x7: {  	_ = 	snop  }
__scs_overlays_trampoline_lowered:
0x8: {  	[smem:$0x3FA7] =	sst s0  }
0x9: {  	[smem:$0x3FA8] =	sst s1  }
0xa: {  	[smem:$0x3FA9] =	sst s2  }
0xb: {  	[smem:$0x3FAA] =	sst s3  }
0xc: {  	[smem:$0x3FAB] =	sst s4  }
0xd: {  	[smem:$0x3FAC] =	sst s5  }
0xe: {  	[smem:$0x3FAD] =	sst s6  }
0xf: {  	[smem:$0x3FAE] =	sst s7  }
0x10: {  	[smem:$0x3FAF] =	sst s8  }
0x11: {  	[smem:$0x3FB0] =	sst s9;
	s0 =	simm.s32 @!p0 $0x0  }
0x12: {  	s1 =	sld [smem:$0x3F96];
	s0 =	simm.s32 @p0 $0x1  }
0x13: {  	[smem:$0x3FB1] =	sst s0;
	s0 =	simm.s32 @!p1 $0x0  }
0x14: {  	s2 =	sld [smem:$0x3F95];
	s0 =	simm.s32 @p1 $0x1  }
0x15: {  	[smem:$0x3FB2] =	sst s0;
	s0 =	simm.s32 @!p2 $0x0  }
0x16: {  	s3 =	sld [smem:$0x3FDB];
	s0 =	simm.s32 @p2 $0x1  }
0x17: {  	s4 =	simm.s32 $0x1BF5;
	[smem:$0x3FB4] =	sst s0  }
0x18: {  	s0 =	sld [smem:$0x3F97];
	_ =	swait.ge [sflag:s4], $0x0  }
0x19: {  	s7 =	sld [smem:$0x3F98]  }
0x1a: {  	s8 =	sadd.s32 $0xFFFFE003, lr  }
0x1b: {  	s9 =	sadd.s32 $0xFFFFFEF7, lr;
	s5 =	simm.s32 $0xFFFFFFFF;
	p2 =	slt.u32 s8, $0xFFFFF086  }
0x1c: {  	p1 =	slt.u32 s9, $0xF7A;
	s5 =	simm.s32 @!p2 $0x0  }
0x1d: {  	s5 =	simm.s32 @p1 $0x1;
	p0 =	seq.s32 s7, s2  }
0x1e: {  	s7 =	smul.u32 @!p0 $0xF7A, s2;
	p2 =	seq.s32 @!p0 s5, $0x0  }
0x1f: {  	s9 =	smul.u32 $0xF7A, s1;
	s8 =	simm.s32 @!p0 $0x1BF5;
	p2 =	por !p2, p0  }
0x20: {  	[sflag:s8] =	ssyncset.s32 @!p0 $0xFFFFF086;
	s6 =	sadd.s32 @!p0 s3, s7;
	s7 =	simm.s32 @!p0 $0x108  }
0x21: {  	s3 =	sadd.s32 s3, s9;
	s6 =	sadd.s32 @!p0 $0x88, s6;
	s7 =	simm.s32 @p2 $0x1082  }
0x22: {  	[simem:s7], [sflag:s8] =	dma.local @!p0 [hbm:s6], $0xF7A  }
0x23: {  	s9 =	sor.u32 $0xD0000000, s2;
	s6 =	simm.s32 $0x108;
	_ =	swait.ge @!p0 [sflag:s8], $0x0  }
0x24: {  	s3 =	sadd.s32 $0x88, s3;
	s6 =	simm.s32 @!p1 $0x1082;
	[sflag:s4] =	ssyncset.s32 $0xFFFFF086  }
0x25: {  	[simem:s6], [sflag:s4] =	dma.local [hbm:s3], $0xF7A  }
0x26: {  	[smem:$0x3F98] =	sst s1;
	(tag) =	ssettag s2;
	_ =	strace s9  }
0x27: {  	s1 =	sld [smem:$0x3FA8]  }
0x28: {  	s2 =	sld [smem:$0x3FA9]  }
0x29: {  	s4 =	sld [smem:$0x3FAB]  }
0x2a: {  	p0 =	seq.s32 s5, $0x0;
	s5 =	sld [smem:$0x3FAC]  }
0x2b: {  	s6 =	sld [smem:$0x3FAD]  }
0x2c: {  	s7 =	sld [smem:$0x3FAE]  }
0x2d: {  	s3 =	simm.s32 $0x108;
	s8 =	sld [smem:$0x3FAF]  }
0x2e: {  	s3 =	simm.s32 @!p0 $0x1082;
	s9 =	sld [smem:$0x3FB0]  }
0x2f: {  	lr =	sadd.s32 s0, s3;
	s0 =	sld [smem:$0x3FA7]  }
0x30: {  	s3 =	sld [smem:$0x3FAA]  }
0x31: {  	[smem:$0x3FB3] =	sst s10  }
0x32: {  	s10 =	sld [smem:$0x3FB1];
	_ =	sdelay $0x3  }
0x33: {  	p0 =	seq.s32 s10, $0x1;
	s10 =	sld [smem:$0x3FB3];
	_ =	sdelay $0x3  }
0x34: {  	[smem:$0x3FB3] =	sst s10  }
0x35: {  	s10 =	sld [smem:$0x3FB2];
	_ =	sdelay $0x3  }
0x36: {  	p1 =	seq.s32 s10, $0x1;
	s10 =	sld [smem:$0x3FB3];
	_ =	sdelay $0x3  }
0x37: {  	[smem:$0x3FB3] =	sst s10  }
0x38: {  	s10 =	sld [smem:$0x3FB4]  }
0x39: {  	_ = 	snop;
	(pc) =	sbr.ind lr, $3  }
0x3a: {  	_ = 	snop  }
0x3b: {  	_ = 	snop  }
0x3c: {  	p2 =	seq.s32 s10, $0x1;
	s10 =	sld [smem:$0x3FB3]  }
0x3d: {  	_ =	shalt  }
0x3e: {  	_ =	shalt  }
0x3f: {  	_ =	shalt  }
0x40: {  	_ =	shalt  }
0x41: {  	_ =	shalt  }
0x42: {  	_ =	shalt  }
0x43: {  	_ =	shalt  }
0x44: {  	_ =	shalt  }
0x45: {  	_ =	shalt  }
0x46: {  	_ =	shalt  }
0x47: {  	_ =	shalt  }
0x48: {  	_ =	shalt  }
0x49: {  	_ =	shalt  }
0x4a: {  	_ =	shalt  }
0x4b: {  	_ =	shalt  }
0x4c: {  	_ =	shalt  }
0x4d: {  	_ =	shalt  }
0x4e: {  	_ =	shalt  }
0x4f: {  	_ =	shalt  }
0x50: {  	_ =	shalt  }
0x51: {  	_ =	shalt  }
0x52: {  	_ =	shalt  }
0x53: {  	_ =	shalt  }
0x54: {  	_ =	shalt  }
0x55: {  	_ =	shalt  }
0x56: {  	_ =	shalt  }
0x57: {  	_ =	shalt  }
0x58: {  	_ =	shalt  }
0x59: {  	_ =	shalt  }
0x5a: {  	_ =	shalt  }
0x5b: {  	_ =	shalt  }
0x5c: {  	_ =	shalt  }
0x5d: {  	_ =	shalt  }
0x5e: {  	_ =	shalt  }
0x5f: {  	_ =	shalt  }
0x60: {  	_ =	shalt  }
0x61: {  	_ =	shalt  }
0x62: {  	_ =	shalt  }
0x63: {  	_ =	shalt  }
0x64: {  	_ =	shalt  }
0x65: {  	_ =	shalt  }
0x66: {  	_ =	shalt  }
0x67: {  	_ =	shalt  }
0x68: {  	_ =	shalt  }
0x69: {  	_ =	shalt  }
0x6a: {  	_ =	shalt  }
0x6b: {  	_ =	shalt  }
0x6c: {  	_ =	shalt  }
0x6d: {  	_ =	shalt  }
0x6e: {  	_ =	shalt  }
0x6f: {  	_ =	shalt  }
0x70: {  	_ =	shalt  }
0x71: {  	_ =	shalt  }
0x72: {  	_ =	shalt  }
0x73: {  	_ =	shalt  }
0x74: {  	_ =	shalt  }
0x75: {  	_ =	shalt  }
0x76: {  	_ =	shalt  }
0x77: {  	_ =	shalt  }
0x78: {  	_ =	shalt  }
0x79: {  	_ =	shalt  }
0x7a: {  	_ =	shalt  }
0x7b: {  	_ =	shalt  }
0x7c: {  	_ =	shalt  }
0x7d: {  	_ =	shalt  }
0x7e: {  	_ =	shalt  }
0x7f: {  	_ =	shalt  }
0x80: {  	_ =	shalt  }
0x81: {  	_ =	shalt  }
0x82: {  	_ =	shalt  }
0x83: {  	_ =	shalt  }
0x84: {  	_ =	shalt  }
0x85: {  	_ =	shalt  }
0x86: {  	_ =	shalt  }
0x87: {  	_ =	shalt  }
.Lfunc_end0:
.L_simem_size_0:
called_computation_lowered:
.L_overlay_start_0:
0x88: {  	s2 =	sld [smem:$0x3FD9]  }
0x89: {  	s3 =	sld [smem:$0x3FFE];
	_ =	sdelay $0x1  }
0x8a: {  	s1 =	srdreg.scid  }
0x8b: {  	s0 =	sand.u32 $0x1, s1  }
0x8c: {  	s17 =	sshll.u32 s0, $0xA;
	s2 =	sadd.s32 s3, s2  }
0x8d: {  	s2 =	sadd.s32 s2, s17  }
0x8e: {  	[smem:$0x3FBF] =	sst s2  }
0x8f: {  	_ = 	snop  }
0x90: {  	s2 =	sld [smem:$0x3FC9]  }
0x91: {  	s18 =	sld [smem:$0x3FD0];
	(tm) =	ssettm $0x1  }
0x92: {  	s4 =	sld [smem:$0x3FFB];
	_ =	sdelay $0x3  }
0x93: {  	_ =	strace s4  }
0x94: {  	s4 =	sld [smem:$0x3FFC];
	_ =	sdelay $0x3  }
0x95: {  	_ =	strace s4  }
0x96: {  	s4 =	sld [smem:$0x3FFD];
	_ =	sdelay $0x3  }
0x97: {  	_ =	strace s4  }
0x98: {  	_ =	strace $0x8FFFFFFF  }
0x99: {  	s19 =	sld [smem:$0x3FDB];
	_ =	sdelay $0x1  }
0x9a: {  	s5 =	simm.s32 $_scs_section_size  }
0x9b: {  	s6 =	simm.s32 $_size__tile_overlayer_lowered;
	s7 =	simm.s32 $_tile_overlayer_lowered  }
0x9c: {  	s22 =	simm.s32 $0x1BFF;
	s21 =	sshll.u32 s7, $0x1;
	s4 =	sadd.s32 s5, s19  }
0x9d: {  	s8 =	simm.s32 $0x0;
	s20 =	sshll.u32 s6, $0x1;
	s6 =	sadd.s32 s21, s4  }
0x9e: {  	[timem:s8], [sflag:s22] =	dma.local [hbm:s6], s20  }
0x9f: {  	_ =	swait.ge [sflag:s22], s20  }
0xa0: {  	s5 =	ssub.s32 $0x0, s20;
	[sflag:s22] =	ssyncset.done $0x0  }
0xa1: {  	[sflag:s22] =	ssyncadd.s32 s5;
	_ =	sdelay $0x1  }
0xa2: {  	s23 =	simm.s32 $0x1B8B  }
0xa3: {  	_ =	swait.ge [sflag:s23], $0x1  }
0xa4: {  	[sflag:s23] =	ssyncset.done $0x0  }
0xa5: {  	s25 =	simm.s32 $0x1B8E;
	s24 =	sld [smem:$0x3FFE];
	[sflag:s23] =	ssyncadd.s32 $0xFFFFFFFF  }
0xa6: {  	s26 =	simm.s32 $execute0_lowered;
	[smem:$0x3FD2] =	sst s25  }
0xa7: {  	s6 =	sshll.u32 s26, $0x1;
	_ =	strace $0x80000046;
	[dreg:$0x1] =	wrdreg $0xFFFFFFFF  }
0xa8: {  	s28 =	simm.s32 $_size_execute0_lowered;
	s4 =	sadd.s32 s4, s6;
	[dreg:$0x0] =	wrdreg $0x0  }
0xa9: {  	s6 =	sshll.u32 s28, $0x1;
	[dreg:$0x2] =	wrdreg s4  }
0xaa: {  	[dreg:$0x3] =	wrdreg s6  }
0xab: {  	[dreg:$0x4] =	wrdreg $0xC0  }
0xac: {  	_ =	task [dreg:s8], $0x5FFFF  }
0xad: {  	[dreg:$0x1] =	wrdreg $0xFFFFFFFF  }
0xae: {  	[dreg:$0x0] =	wrdreg $0x60  }
0xaf: {  	[dreg:$0x2] =	wrdreg s2  }
0xb0: {  	[dreg:$0x3] =	wrdreg s18  }
0xb1: {  	[dreg:$0x4] =	wrdreg s24  }
0xb2: {  	[dreg:$0x5] =	wrdreg $0xAB000  }
0xb3: {  	[dreg:$0x6] =	wrdreg $0x1EB000  }
0xb4: {  	[dreg:$0x7] =	wrdreg $0x9  }
0xb5: {  	_ =	task.clear_ibuf [dreg:s8], $0x8FFFF;
	_ =	strace $0x90000046  }
0xb6: {  	s29 =	simm.s32 $0x9;
	_ =	strace $0x80000048  }
0xb7: {  	_ =	swait.ge [sflag:s29], $0x1  }
0xb8: {  	[sflag:s29] =	ssyncadd.s32 $0xFFFFFFFF  }
0xb9: {  	_ =	strace $0x90000048  }
0xba: {  	_ =	sfence  }
0xbb: {  	s30 =	sld [smem:$0x0];
	_ =	sdelay $0x2  }
0xbc: {  	s31 =	sshll.u32 s1, $0xD;
	s1 =	sshrl.u32 s1, $0x2  }
0xbd: {  	s3 =	sand.u32 $0x4000, s31;
	s1 =	sadd.s32 s1, s30  }
0xbe: {  	s0 =	sor.u32 s3, s0;
	s1 =	sshll.u32 s1, $0x11  }
0xbf: {  	s0 =	sor.u32 s1, s0  }
0xc0: {  	s0 =	sadd.s32 $0x8F2B, s0  }
0xc1: {  	[sflag:s0] =	ssyncadd.remote.s32 $0x1  }
0xc2: {  	_ =	sfence.sel $0xFFFF  }
0xc3: {  	[dreg:$0x0] =	wrdreg $0xFFFFFFFF;
	(pc) =	sbr.abs _section_cstart, $3  }
0xc4: {  	[dreg:$0x1] =	wrdreg $0xFFFFFFFF  }
0xc5: {  	_ =	task.clear_ibuf [dreg:s8], $0x2FFFF;
	_ =	strace $0x9FFFFFFF  }
0xc6: {  	(tm) =	ssettm $0x7FFFFFFF  }
0xc7: {  	_ =	shalt  }
tec
execute0_lowered:
.L_overlay_start_1:
0x0: {  	(tag) =	ssettag $0x1  }
0x1: {  	s1 =	rddreg [dreg:$0x0]  }
0x2: {  	s0 =	rddreg [dreg:$0x1]  }
0x3: {  	s4 =	rddreg [dreg:$0x2]  }
0x4: {  	s2 =	rddreg [dreg:$0x3]  }
0x5: {  	s3 =	rddreg [dreg:$0x4];
	s6 =	simm.s32 $0x0  }
0x6: {  	s5 =	srdreg.scid;
	s12 =	stileid.u32;
	s28 =	simm.s32 $0x7D  }
0x7: {  	s29 =	simm.s32 $0x80;
	s30 =	simm.s32 $0x6800;
	s7 =	smul.u32 $0x14000, s12  }
0x8: {  	s31 =	simm.s32 $0x2;
	s14 =	simm.s32 $0x10;
	s8 =	smul.u32 $0x500, s12  }
0x9: {  	[smem:$0x7FF] =	sst s6;
	s5 =	sand.u32 $0x1, s5;
	s11 =	smul.u32 $0xA00, s12  }
0xa: {  	s9 =	sadd.s32 $0x1A00, s4;
	s15 =	smul.u32 $0x140000, s5;
	_ =	strace $0x80000047  }
0xb: {  	s10 =	sshll.u32 s5, $0x4;
	s16 =	sshll.u32 s5, $0x7;
	s5 =	ssub.s32 $0x2, s5  }
0xc: {  	s10 =	sor.u32 s12, s10;
	s18 =	sshrl.u32 s5, $0x1;
	s20 =	sshrl.u32 s11, $0x2  }
0xd: {  	s12 =	smul.u32 $0x50000, s12;
	s6 =	sadd.s32 s7, s15;
	s7 =	sor.u32 s16, s8  }
0xe: {  	s17 =	smul.u32 $0x2800, s10;
	s5 =	ssub.s32 s5, s18;
	s6 =	sshrl.u32 s6, $0x3  }
0xf: {  	s7 =	sshrl.u32 s7, $0x3;
	s24 =	sshrl.u32 s12, $0x2;
	s26 =	smax.u32 s5, $0x1  }
0x10: {  	s5 =	simm.s32 $0x2700;
	s6 =	sadd.s32 s6, s4;
	s8 =	sshrl.u32 s17, $0x3  }
0x11: {  	s4 =	sadd.s32 s7, s4;
	s12 =	sadd.s32 s24, s2;
	[dreg:$0xc] =	wrdreg s26  }
0x12: {  	s26 =	simm.s32 $0x1;
	s24 =	simm.s32 $0xA800;
	s7 =	simm.s32 $0x0  }
0x13: {  	s19 =	sadd.s32 s0, s8;
	s21 =	sadd.s32 $0x280, s8;
	s8 =	sadd.s32 s9, s8  }
0x14: {  	s23 =	sadd.s32 $0xBA00, s6;
	s25 =	sadd.s32 $0x5BA00, s4;
	s15 =	sadd.s32 $0x2800, s12  }
0x15: {  	s16 =	sadd.s32 $0x5000, s12;
	s17 =	sadd.s32 $0x7800, s12;
	[dreg:$0x6] =	wrdreg s19  }
0x16: {  	s18 =	sadd.s32 $0xA000, s12;
	s4 =	simm.s32 $0x3;
	[dreg:$0x7] =	wrdreg s8  }
0x17: {  	s6 =	simm.s32 $0x2780;
	s8 =	sadd.s32 s20, s3;
	[dreg:$0xa] =	wrdreg s23  }
0x18: {  	s0 =	sadd.s32 s0, s21;
	s22 =	sadd.s32 s9, s21;
	[dreg:$0xb] =	wrdreg s25  }
0x19: {  	s19 =	sadd.s32 $0xC800, s12;
	s20 =	sadd.s32 $0xF000, s12;
	s21 =	sadd.s32 $0x11800, s12  }
0x1a: {  	s23 =	simm.s32 $0x2800;
	s25 =	simm.s32 $0x4;
	[dreg:$0x8] =	wrdreg s0  }
0x1b: {  	v0 =	vimm.f32 $0.0e+00;
	v1 =	vimm.f32 $1.000000000e+00;
	[dreg:$0x9] =	wrdreg s22;
	s22 =	simm.s32 $0x1400;
	s0 =	simm.s32 $0x5  }
.LBB2_1:
0x1c: {  	s9 =	simm.s32 $0x0;
	s10 =	rddreg [dreg:$0x6]  }
0x1d: {  	[tilespmem:s9], [sflag:$0x1] =	stream.linear.gather [hbm4b:s10+s9], $0x1400, $0x38;
	[tilespmem:$0x1ED80] =	vst v63  }
0x1e: {  	s13 =	rddreg [dreg:$0x7]  }
0x1f: {  	[tilespmem:s22], [sflag:$0x1] =	stream.linear.gather [hbm4b:s13+s9], $0x1400, $0x38;
	[tilespmem:$0x1ED80] =	vst v63  }
0x20: {  	s10 =	simm.s32 $0x200;
	s9 =	simm.s32 $0x0  }
.LBB2_2:
0x21: {  	p0 =	sne.s32 s10, $0xF800;
	[tilespmem:s9+$0x2870] =	vst v0  }
0x22: {  	[tilespmem:s9+$0x2800] =	vst v0  }
0x23: {  	[tilespmem:s9+$0x2810] =	vst v0  }
.Ltmp0:
0x24: {  	[tilespmem:s9+$0x2820] =	vst v0;
	(pc) =	sbr.rel @p0 .LBB2_2-.Ltmp0, $4  }
0x25: {  	[tilespmem:s9+$0x2830] =	vst v0  }
0x26: {  	[tilespmem:s9+$0x2840] =	vst v0  }
0x27: {  	[tilespmem:s9+$0x2850] =	vst v0  }
0x28: {  	[tilespmem:s9+$0x2860] =	vst v0;
	s9 =	sshra.s32 s10, $0x2;
	s10 =	sadd.s32 $0x200, s10  }
0x29: {  	[tilespmem:s9+$0x2870] =	vst v0  }
0x2a: {  	[tilespmem:s9+$0x2800] =	vst v0  }
0x2b: {  	[tilespmem:s9+$0x2810] =	vst v0  }
0x2c: {  	[tilespmem:s9+$0x2820] =	vst v0  }
0x2d: {  	[tilespmem:s9+$0x2830] =	vst v0  }
0x2e: {  	[tilespmem:s9+$0x2840] =	vst v0  }
0x2f: {  	[tilespmem:s9+$0x2850] =	vst v0  }
0x30: {  	[tilespmem:s9+$0x2860] =	vst v0  }
0x31: {  	[tilespmem:$0xA880] =	vst v0  }
0x32: {  	[tilespmem:$0xA890] =	vst v0  }
0x33: {  	[tilespmem:$0xA8A0] =	vst v0  }
0x34: {  	[tilespmem:$0xA8B0] =	vst v0  }
0x35: {  	[tilespmem:$0xA8C0] =	vst v0  }
0x36: {  	[tilespmem:$0xA8D0] =	vst v0  }
0x37: {  	[tilespmem:$0xA8E0] =	vst v0  }
0x38: {  	[tilespmem:$0xA8F0] =	vst v0  }
0x39: {  	[tilespmem:$0xA900] =	vst v0  }
0x3a: {  	[tilespmem:$0xA910] =	vst v0  }
0x3b: {  	[tilespmem:$0xA920] =	vst v0  }
0x3c: {  	[tilespmem:$0xA930] =	vst v0  }
0x3d: {  	[tilespmem:$0xA940] =	vst v0  }
0x3e: {  	[tilespmem:$0xA950] =	vst v0  }
0x3f: {  	[tilespmem:$0xA960] =	vst v0  }
0x40: {  	[tilespmem:$0xA970] =	vst v0  }
0x41: {  	[tilespmem:$0xA980] =	vst v0  }
0x42: {  	[tilespmem:$0xA990] =	vst v0  }
0x43: {  	[tilespmem:$0xA9A0] =	vst v0  }
0x44: {  	[tilespmem:$0xA9B0] =	vst v0  }
0x45: {  	[tilespmem:$0xA9C0] =	vst v0  }
0x46: {  	[tilespmem:$0xA9D0] =	vst v0  }
0x47: {  	[tilespmem:$0xA9E0] =	vst v0  }
0x48: {  	[tilespmem:$0xA9F0] =	vst v0  }
0x49: {  	[tilespmem:$0xAA00] =	vst v0  }
0x4a: {  	[tilespmem:$0xAA10] =	vst v0  }
0x4b: {  	[tilespmem:$0xAA20] =	vst v0  }
0x4c: {  	[tilespmem:$0xAA30] =	vst v0  }
0x4d: {  	[tilespmem:$0xAA40] =	vst v0  }
0x4e: {  	[tilespmem:$0xAA50] =	vst v0  }
0x4f: {  	[tilespmem:$0xAA60] =	vst v0  }
0x50: {  	[tilespmem:$0xAA70] =	vst v0  }
0x51: {  	[tilespmem:$0xAA80] =	vst v0  }
0x52: {  	[tilespmem:$0xAA90] =	vst v0  }
0x53: {  	[tilespmem:$0xAAA0] =	vst v0  }
0x54: {  	[tilespmem:$0xAAB0] =	vst v0  }
0x55: {  	[tilespmem:$0xAAC0] =	vst v0  }
0x56: {  	[tilespmem:$0xAAD0] =	vst v0  }
0x57: {  	[tilespmem:$0xAAE0] =	vst v0  }
0x58: {  	[tilespmem:$0xAAF0] =	vst v0  }
0x59: {  	[tilespmem:$0xA800] =	vst v1  }
0x5a: {  	[tilespmem:$0xA810] =	vst v1  }
0x5b: {  	[tilespmem:$0xA820] =	vst v1  }
0x5c: {  	[tilespmem:$0xA830] =	vst v1  }
0x5d: {  	[tilespmem:$0xA840] =	vst v1  }
0x5e: {  	[tilespmem:$0xA850] =	vst v1  }
0x5f: {  	[tilespmem:$0xA860] =	vst v1  }
0x60: {  	[tilespmem:$0xA870] =	vst v1  }
0x61: {  	[spmem:s12] =	stream.linear.scatter [tilespmem:s23], [sflag:$0x4], $0x2800, $0x38;
	[tilespmem:$0x1ED80] =	vst v63  }
0x62: {  	_ = 	snop  }
0x63: {  	[spmem:s15] =	stream.linear.scatter [tilespmem:s23], [sflag:$0x4], $0x2800, $0x38;
	[tilespmem:$0x1ED80] =	vst v63  }
0x64: {  	_ = 	snop  }
0x65: {  	[spmem:s16] =	stream.linear.scatter [tilespmem:s23], [sflag:$0x4], $0x2800, $0x38;
	[tilespmem:$0x1ED80] =	vst v63  }
0x66: {  	_ = 	snop  }
0x67: {  	[spmem:s17] =	stream.linear.scatter [tilespmem:s23], [sflag:$0x4], $0x2800, $0x38;
	[tilespmem:$0x1ED80] =	vst v63  }
0x68: {  	_ = 	snop  }
0x69: {  	[spmem:s18] =	stream.linear.scatter [tilespmem:s23], [sflag:$0x4], $0x2800, $0x38;
	[tilespmem:$0x1ED80] =	vst v63  }
0x6a: {  	_ = 	snop  }
0x6b: {  	[spmem:s19] =	stream.linear.scatter [tilespmem:s23], [sflag:$0x4], $0x2800, $0x38;
	[tilespmem:$0x1ED80] =	vst v63  }
0x6c: {  	_ = 	snop  }
0x6d: {  	[spmem:s20] =	stream.linear.scatter [tilespmem:s23], [sflag:$0x4], $0x2800, $0x38;
	[tilespmem:$0x1ED80] =	vst v63  }
0x6e: {  	_ = 	snop  }
0x6f: {  	[spmem:s21] =	stream.linear.scatter [tilespmem:s23], [sflag:$0x4], $0x2800, $0x38;
	[tilespmem:$0x1ED80] =	vst v63  }
0x70: {  	s11 =	simm.s32 $0xA880  }
0x71: {  	[spmem:s8] =	stream.linear.scatter [tilespmem:s11], [sflag:$0x4], $0x280, $0x38;
	[tilespmem:$0x1ED80] =	vst v63  }
0x72: {  	_ =	swait.ge [sflag:s25], $0x2800  }
0x73: {  	[sflag:s25] =	ssyncset.done $0x0  }
0x74: {  	[sflag:s25] =	ssyncadd.s32 $0xFFFFD800  }
0x75: {  	_ =	swait.ge [sflag:s25], $0x2800  }
0x76: {  	[sflag:s25] =	ssyncset.done $0x0  }
0x77: {  	[sflag:s25] =	ssyncadd.s32 $0xFFFFD800  }
0x78: {  	_ =	swait.ge [sflag:s25], $0x2800  }
0x79: {  	[sflag:s25] =	ssyncset.done $0x0  }
0x7a: {  	[sflag:s25] =	ssyncadd.s32 $0xFFFFD800  }
0x7b: {  	_ =	swait.ge [sflag:s25], $0x2800  }
0x7c: {  	[sflag:s25] =	ssyncset.done $0x0  }
0x7d: {  	[sflag:s25] =	ssyncadd.s32 $0xFFFFD800  }
0x7e: {  	_ =	swait.ge [sflag:s25], $0x2800  }
0x7f: {  	[sflag:s25] =	ssyncset.done $0x0  }
0x80: {  	[sflag:s25] =	ssyncadd.s32 $0xFFFFD800  }
0x81: {  	_ =	swait.ge [sflag:s25], $0x2800  }
0x82: {  	[sflag:s25] =	ssyncset.done $0x0  }
0x83: {  	[sflag:s25] =	ssyncadd.s32 $0xFFFFD800  }
0x84: {  	_ =	swait.ge [sflag:s25], $0x2800  }
0x85: {  	[sflag:s25] =	ssyncset.done $0x0  }
0x86: {  	[sflag:s25] =	ssyncadd.s32 $0xFFFFD800  }
0x87: {  	_ =	swait.ge [sflag:s25], $0x2800  }
0x88: {  	[sflag:s25] =	ssyncset.done $0x0  }
0x89: {  	[sflag:s25] =	ssyncadd.s32 $0xFFFFD800  }
0x8a: {  	_ =	swait.ge [sflag:s25], $0x280  }
0x8b: {  	[sflag:s25] =	ssyncset.done $0x0  }
0x8c: {  	[sflag:s25] =	ssyncadd.s32 $0xFFFFFD80  }
0x8d: {  	_ =	swait.ge [sflag:s26], $0x1400  }
0x8e: {  	[sflag:s26] =	ssyncset.done $0x0  }
0x8f: {  	[sflag:s26] =	ssyncadd.s32 $0xFFFFEC00  }
0x90: {  	_ =	swait.ge [sflag:s26], $0x1400  }
0x91: {  	[sflag:s26] =	ssyncset.done $0x0  }
0x92: {  	[sflag:s26] =	ssyncadd.s32 $0xFFFFEC00  }
0x93: {  	s13 =	simm.s32 $0x0;
	[bflag:$0x0] =	sbarrier.arrive $0xFFFF  }
0x94: {  	[tilespmem:s23], [sflag:$0x2] =	stream.indirect.gather [hbm4b:s1+s28], $0x80, s13, s28, $0xb8;
	[tilespmem:$0x1ED80] =	vst v63  }
0x95: {  	_ = 	snop  }
0x96: {  	[tilespmem:s30], [sflag:$0x3] =	stream.indirect.gather [hbm4b:s1+s28], $0x80, s29, s28, $0xb8;
	[tilespmem:$0x1ED80] =	vst v63  }
0x97: {  	_ =	swait.ge [sflag:s31], $0x3E80  }
0x98: {  	[sflag:s31] =	ssyncset.done $0x0  }
0x99: {  	s10 =	simm.s32 $0x1400;
	[sflag:s31] =	ssyncadd.s32 $0xFFFFC180  }
0x9a: {  	[spmem:s2] =	stream.indirect.scatter.add.f32 [tilespmem:s23], [sflag:$0x5], $0x80, s10, s28, $0xb8;
	[tilespmem:$0x1ED80] =	vst v63  }
0x9b: {  	_ =	swait.ge [sflag:s0], $0x3E80  }
0x9c: {  	[sflag:s0] =	ssyncset.done $0x0  }
0x9d: {  	[sflag:s0] =	ssyncadd.s32 $0xFFFFC180  }
0x9e: {  	[spmem:s3] =	stream.indirect.scatter.add.f32 [tilespmem:s24], [sflag:$0x4], $0x1, s10, s28, $0xb8;
	[tilespmem:$0x1ED80] =	vst v63  }
0x9f: {  	s11 =	simm.s32 $0x100  }
0xa0: {  	[tilespmem:s23], [sflag:$0x2] =	stream.indirect.gather [hbm4b:s1+s28], $0x80, s11, s28, $0xb8;
	[tilespmem:$0x1ED80] =	vst v63  }
0xa1: {  	_ =	swait.ge [sflag:s4], $0x3E80  }
0xa2: {  	[sflag:s4] =	ssyncset.done $0x0  }
0xa3: {  	s13 =	simm.s32 $0x1480;
	[sflag:s4] =	ssyncadd.s32 $0xFFFFC180  }
0xa4: {  	[spmem:s2] =	stream.indirect.scatter.add.f32 [tilespmem:s30], [sflag:$0x5], $0x80, s13, s28, $0xb8;
	[tilespmem:$0x1ED80] =	vst v63  }
0xa5: {  	_ =	swait.ge [sflag:s0], $0x3E80  }
0xa6: {  	[sflag:s0] =	ssyncset.done $0x0  }
0xa7: {  	s9 =	simm.s32 $0x400;
	s10 =	simm.s32 $0x180;
	[sflag:s0] =	ssyncadd.s32 $0xFFFFC180  }
0xa8: {  	[spmem:s3] =	stream.indirect.scatter.add.f32 [tilespmem:s24], [sflag:$0x4], $0x1, s13, s28, $0xb8;
	[tilespmem:$0x1ED80] =	vst v63  }
.LBB2_4:
0xa9: {  	[tilespmem:s30], [sflag:$0x3] =	stream.indirect.gather [hbm4b:s1+s28], $0x80, s10, s28, $0xb8;
	[tilespmem:$0x1ED80] =	vst v63  }
0xaa: {  	s10 =	smov.u32 s9  }
0xab: {  	p0 =	sne.s32 s9, $0x4800;
	s9 =	sadd.s32 $0x400, s9;
	_ =	swait.ge [sflag:s31], $0x3E80  }
0xac: {  	s10 =	sshra.s32 s10, $0x2;
	[sflag:s31] =	ssyncset.done $0x0  }
0xad: {  	s11 =	sadd.s32 $0x1400, s10;
	[sflag:s31] =	ssyncadd.s32 $0xFFFFC180  }
0xae: {  	[spmem:s2] =	stream.indirect.scatter.add.f32 [tilespmem:s23], [sflag:$0x5], $0x80, s11, s28, $0xb8;
	[tilespmem:$0x1ED80] =	vst v63  }
0xaf: {  	_ =	swait.ge [sflag:s0], $0x3E80  }
0xb0: {  	[sflag:s0] =	ssyncset.done $0x0  }
0xb1: {  	[sflag:s0] =	ssyncadd.s32 $0xFFFFC180  }
0xb2: {  	[spmem:s3] =	stream.indirect.scatter.add.f32 [tilespmem:s24], [sflag:$0x4], $0x1, s11, s28, $0xb8;
	[tilespmem:$0x1ED80] =	vst v63  }
0xb3: {  	s11 =	sadd.s32 $0x100, s10  }
0xb4: {  	[tilespmem:s23], [sflag:$0x2] =	stream.indirect.gather [hbm4b:s1+s28], $0x80, s11, s28, $0xb8;
	[tilespmem:$0x1ED80] =	vst v63  }
0xb5: {  	_ =	swait.ge [sflag:s4], $0x3E80  }
0xb6: {  	[sflag:s4] =	ssyncset.done $0x0  }
0xb7: {  	s11 =	sadd.s32 $0x1480, s10;
	[sflag:s4] =	ssyncadd.s32 $0xFFFFC180  }
0xb8: {  	[spmem:s2] =	stream.indirect.scatter.add.f32 [tilespmem:s30], [sflag:$0x5], $0x80, s11, s28, $0xb8;
	[tilespmem:$0x1ED80] =	vst v63  }
.Ltmp1:
0xb9: {  	_ =	swait.ge [sflag:s0], $0x3E80;
	(pc) =	sbr.rel @p0 .LBB2_4-.Ltmp1, $4  }
0xba: {  	[sflag:s0] =	ssyncset.done $0x0  }
0xbb: {  	[sflag:s0] =	ssyncadd.s32 $0xFFFFC180  }
0xbc: {  	[spmem:s3] =	stream.indirect.scatter.add.f32 [tilespmem:s24], [sflag:$0x4], $0x1, s11, s28, $0xb8;
	[tilespmem:$0x1ED80] =	vst v63  }
0xbd: {  	s10 =	sadd.s32 $0x180, s10  }
0xbe: {  	[tilespmem:s30], [sflag:$0x3] =	stream.indirect.gather [hbm4b:s1+s28], $0x80, s10, s28, $0xb8;
	[tilespmem:$0x1ED80] =	vst v63  }
0xbf: {  	_ =	swait.ge [sflag:s31], $0x3E80  }
0xc0: {  	[sflag:s31] =	ssyncset.done $0x0  }
0xc1: {  	[sflag:s31] =	ssyncadd.s32 $0xFFFFC180  }
0xc2: {  	[spmem:s2] =	stream.indirect.scatter.add.f32 [tilespmem:s23], [sflag:$0x5], $0x80, s5, s28, $0xb8;
	[tilespmem:$0x1ED80] =	vst v63  }
0xc3: {  	_ =	swait.ge [sflag:s0], $0x3E80  }
0xc4: {  	[sflag:s0] =	ssyncset.done $0x0  }
0xc5: {  	[sflag:s0] =	ssyncadd.s32 $0xFFFFC180  }
0xc6: {  	[spmem:s3] =	stream.indirect.scatter.add.f32 [tilespmem:s24], [sflag:$0x4], $0x1, s5, s28, $0xb8;
	[tilespmem:$0x1ED80] =	vst v63  }
0xc7: {  	_ =	swait.ge [sflag:s4], $0x3E80  }
0xc8: {  	[sflag:s4] =	ssyncset.done $0x0  }
0xc9: {  	[sflag:s4] =	ssyncadd.s32 $0xFFFFC180  }
0xca: {  	[spmem:s2] =	stream.indirect.scatter.add.f32 [tilespmem:s30], [sflag:$0x5], $0x80, s6, s28, $0xb8;
	[tilespmem:$0x1ED80] =	vst v63  }
0xcb: {  	_ =	swait.ge [sflag:s0], $0x3E80  }
0xcc: {  	[sflag:s0] =	ssyncset.done $0x0  }
0xcd: {  	[sflag:s0] =	ssyncadd.s32 $0xFFFFC180  }
0xce: {  	[spmem:s3] =	stream.indirect.scatter.add.f32 [tilespmem:s24], [sflag:$0x4], $0x1, s6, s28, $0xb8;
	[tilespmem:$0x1ED80] =	vst v63  }
0xcf: {  	_ =	swait.ge [sflag:s25], $0x7D  }
0xd0: {  	s9 =	simm.s32 $0x27;
	[sflag:s25] =	ssyncset.done $0x0  }
.LBB2_6:
0xd1: {  	p0 =	sne.s32 s9, $0x1;
	s9 =	sadd.s32 $0xFFFFFFFF, s9;
	[sflag:s25] =	ssyncadd.s32 $0xFFFFFF83  }
.Ltmp2:
0xd2: {  	(pc) =	sbr.rel @p0 .LBB2_6-.Ltmp2, $3  }
0xd3: {  	_ =	sdelay $0x1  }
0xd4: {  	_ =	swait.ge [sflag:s25], $0x7D  }
0xd5: {  	[sflag:s25] =	ssyncset.done $0x0  }
0xd6: {  	[sflag:s25] =	ssyncadd.s32 $0xFFFFFF83;
	s9 =	simm.s32 $0x0;
	s10 =	rddreg [dreg:$0x8]  }
0xd7: {  	[tilespmem:s9], [sflag:$0x5] =	stream.linear.gather [hbm4b:s10+s9], $0x1400, $0x38;
	[tilespmem:$0x1ED80] =	vst v63  }
0xd8: {  	_ =	swait.ge [sflag:s0], $0x1400  }
0xd9: {  	[sflag:s0] =	ssyncset.done $0x0  }
0xda: {  	s13 =	rddreg [dreg:$0x9];
	[sflag:s0] =	ssyncadd.s32 $0xFFFFEC00  }
0xdb: {  	[tilespmem:s22], [sflag:$0x5] =	stream.linear.gather [hbm4b:s13+s9], $0x1400, $0x38;
	[tilespmem:$0x1ED80] =	vst v63  }
0xdc: {  	_ =	swait.ge [sflag:s0], $0x1400  }
0xdd: {  	[sflag:s0] =	ssyncset.done $0x0  }
0xde: {  	[sflag:s0] =	ssyncadd.s32 $0xFFFFEC00  }
0xdf: {  	[tilespmem:s23], [sflag:$0x2] =	stream.indirect.gather [hbm4b:s1+s28], $0x80, s9, s28, $0xb8;
	[tilespmem:$0x1ED80] =	vst v63  }
0xe0: {  	_ = 	snop  }
0xe1: {  	[tilespmem:s30], [sflag:$0x3] =	stream.indirect.gather [hbm4b:s1+s28], $0x80, s29, s28, $0xb8;
	[tilespmem:$0x1ED80] =	vst v63  }
0xe2: {  	_ =	swait.ge [sflag:s31], $0x3E80  }
0xe3: {  	[sflag:s31] =	ssyncset.done $0x0  }
0xe4: {  	s10 =	simm.s32 $0x1400;
	[sflag:s31] =	ssyncadd.s32 $0xFFFFC180  }
0xe5: {  	[spmem:s2] =	stream.indirect.scatter.add.f32 [tilespmem:s23], [sflag:$0x5], $0x80, s10, s28, $0xb8;
	[tilespmem:$0x1ED80] =	vst v63  }
0xe6: {  	_ =	swait.ge [sflag:s0], $0x3E80  }
0xe7: {  	[sflag:s0] =	ssyncset.done $0x0  }
0xe8: {  	[sflag:s0] =	ssyncadd.s32 $0xFFFFC180  }
0xe9: {  	[spmem:s3] =	stream.indirect.scatter.add.f32 [tilespmem:s24], [sflag:$0x4], $0x1, s10, s28, $0xb8;
	[tilespmem:$0x1ED80] =	vst v63  }
0xea: {  	s11 =	simm.s32 $0x100  }
0xeb: {  	[tilespmem:s23], [sflag:$0x2] =	stream.indirect.gather [hbm4b:s1+s28], $0x80, s11, s28, $0xb8;
	[tilespmem:$0x1ED80] =	vst v63  }
0xec: {  	_ =	swait.ge [sflag:s4], $0x3E80  }
0xed: {  	[sflag:s4] =	ssyncset.done $0x0  }
0xee: {  	s13 =	simm.s32 $0x1480;
	[sflag:s4] =	ssyncadd.s32 $0xFFFFC180  }
0xef: {  	[spmem:s2] =	stream.indirect.scatter.add.f32 [tilespmem:s30], [sflag:$0x5], $0x80, s13, s28, $0xb8;
	[tilespmem:$0x1ED80] =	vst v63  }
0xf0: {  	_ =	swait.ge [sflag:s0], $0x3E80  }
0xf1: {  	[sflag:s0] =	ssyncset.done $0x0  }
0xf2: {  	s9 =	simm.s32 $0x400;
	s10 =	simm.s32 $0x180;
	[sflag:s0] =	ssyncadd.s32 $0xFFFFC180  }
0xf3: {  	[spmem:s3] =	stream.indirect.scatter.add.f32 [tilespmem:s24], [sflag:$0x4], $0x1, s13, s28, $0xb8;
	[tilespmem:$0x1ED80] =	vst v63  }
.LBB2_8:
0xf4: {  	[tilespmem:s30], [sflag:$0x3] =	stream.indirect.gather [hbm4b:s1+s28], $0x80, s10, s28, $0xb8;
	[tilespmem:$0x1ED80] =	vst v63  }
0xf5: {  	s10 =	smov.u32 s9  }
0xf6: {  	p0 =	sne.s32 s9, $0x4800;
	s9 =	sadd.s32 $0x400, s9;
	_ =	swait.ge [sflag:s31], $0x3E80  }
0xf7: {  	s10 =	sshra.s32 s10, $0x2;
	[sflag:s31] =	ssyncset.done $0x0  }
0xf8: {  	s11 =	sadd.s32 $0x1400, s10;
	[sflag:s31] =	ssyncadd.s32 $0xFFFFC180  }
0xf9: {  	[spmem:s2] =	stream.indirect.scatter.add.f32 [tilespmem:s23], [sflag:$0x5], $0x80, s11, s28, $0xb8;
	[tilespmem:$0x1ED80] =	vst v63  }
0xfa: {  	_ =	swait.ge [sflag:s0], $0x3E80  }
0xfb: {  	[sflag:s0] =	ssyncset.done $0x0  }
0xfc: {  	[sflag:s0] =	ssyncadd.s32 $0xFFFFC180  }
0xfd: {  	[spmem:s3] =	stream.indirect.scatter.add.f32 [tilespmem:s24], [sflag:$0x4], $0x1, s11, s28, $0xb8;
	[tilespmem:$0x1ED80] =	vst v63  }
0xfe: {  	s11 =	sadd.s32 $0x100, s10  }
0xff: {  	[tilespmem:s23], [sflag:$0x2] =	stream.indirect.gather [hbm4b:s1+s28], $0x80, s11, s28, $0xb8;
	[tilespmem:$0x1ED80] =	vst v63  }
0x100: {  	_ =	swait.ge [sflag:s4], $0x3E80  }
0x101: {  	[sflag:s4] =	ssyncset.done $0x0  }
0x102: {  	s11 =	sadd.s32 $0x1480, s10;
	[sflag:s4] =	ssyncadd.s32 $0xFFFFC180  }
0x103: {  	[spmem:s2] =	stream.indirect.scatter.add.f32 [tilespmem:s30], [sflag:$0x5], $0x80, s11, s28, $0xb8;
	[tilespmem:$0x1ED80] =	vst v63  }
.Ltmp3:
0x104: {  	_ =	swait.ge [sflag:s0], $0x3E80;
	(pc) =	sbr.rel @p0 .LBB2_8-.Ltmp3, $4  }
0x105: {  	[sflag:s0] =	ssyncset.done $0x0  }
0x106: {  	[sflag:s0] =	ssyncadd.s32 $0xFFFFC180  }
0x107: {  	[spmem:s3] =	stream.indirect.scatter.add.f32 [tilespmem:s24], [sflag:$0x4], $0x1, s11, s28, $0xb8;
	[tilespmem:$0x1ED80] =	vst v63  }
0x108: {  	s10 =	sadd.s32 $0x180, s10  }
0x109: {  	[tilespmem:s30], [sflag:$0x3] =	stream.indirect.gather [hbm4b:s1+s28], $0x80, s10, s28, $0xb8;
	[tilespmem:$0x1ED80] =	vst v63  }
0x10a: {  	_ =	swait.ge [sflag:s31], $0x3E80  }
0x10b: {  	[sflag:s31] =	ssyncset.done $0x0  }
0x10c: {  	[sflag:s31] =	ssyncadd.s32 $0xFFFFC180  }
0x10d: {  	[spmem:s2] =	stream.indirect.scatter.add.f32 [tilespmem:s23], [sflag:$0x5], $0x80, s5, s28, $0xb8;
	[tilespmem:$0x1ED80] =	vst v63  }
0x10e: {  	_ =	swait.ge [sflag:s0], $0x3E80  }
0x10f: {  	[sflag:s0] =	ssyncset.done $0x0  }
0x110: {  	[sflag:s0] =	ssyncadd.s32 $0xFFFFC180  }
0x111: {  	[spmem:s3] =	stream.indirect.scatter.add.f32 [tilespmem:s24], [sflag:$0x4], $0x1, s5, s28, $0xb8;
	[tilespmem:$0x1ED80] =	vst v63  }
0x112: {  	_ =	swait.ge [sflag:s4], $0x3E80  }
0x113: {  	[sflag:s4] =	ssyncset.done $0x0  }
0x114: {  	[sflag:s4] =	ssyncadd.s32 $0xFFFFC180  }
0x115: {  	[spmem:s2] =	stream.indirect.scatter.add.f32 [tilespmem:s30], [sflag:$0x5], $0x80, s6, s28, $0xb8;
	[tilespmem:$0x1ED80] =	vst v63  }
0x116: {  	_ =	swait.ge [sflag:s0], $0x3E80  }
0x117: {  	[sflag:s0] =	ssyncset.done $0x0  }
0x118: {  	[sflag:s0] =	ssyncadd.s32 $0xFFFFC180  }
0x119: {  	[spmem:s3] =	stream.indirect.scatter.add.f32 [tilespmem:s24], [sflag:$0x4], $0x1, s6, s28, $0xb8;
	[tilespmem:$0x1ED80] =	vst v63  }
0x11a: {  	_ =	swait.ge [sflag:s25], $0x7D  }
0x11b: {  	s9 =	simm.s32 $0x27;
	[sflag:s25] =	ssyncset.done $0x0  }
.LBB2_10:
0x11c: {  	p0 =	sne.s32 s9, $0x1;
	s9 =	sadd.s32 $0xFFFFFFFF, s9;
	[sflag:s25] =	ssyncadd.s32 $0xFFFFFF83  }
.Ltmp4:
0x11d: {  	(pc) =	sbr.rel @p0 .LBB2_10-.Ltmp4, $3  }
0x11e: {  	_ =	sdelay $0x1  }
0x11f: {  	_ =	swait.ge [sflag:s25], $0x7D  }
0x120: {  	[sflag:s25] =	ssyncset.done $0x0  }
0x121: {  	[sflag:s25] =	ssyncadd.s32 $0xFFFFFF83;
	s9 =	stileid.u32  }
0x122: {  	s11 =	sshrl.u32 s12, $0x3;
	s9 =	sshll.u32 s9, $0x6;
	[bflag:$0x0] =	sbarrier.arrive $0xFFFF  }
0x123: {  	s10 =	sor.u32 $0x1C02, s9;
	s13 =	rddreg [dreg:$0xa];
	s9 =	sor.u32 $0x1C03, s9  }
0x124: {  	[hbm:s13], [sflag:s10] =	dma.local [spmem:s11], $0x2800  }
0x125: {  	s10 =	sshrl.u32 s8, $0x3;
	s13 =	simm.s32 $0x20;
	s11 =	rddreg [dreg:$0xb]  }
0x126: {  	[hbm:s11@s13], [sflag:s9] =	dma.strided [spmem:s10@s14], $0x50, s26, $0x10   }
0x127: {  	_ =	swait.ge [sflag:s31], $0x2800  }
0x128: {  	[sflag:s31] =	ssyncset.done $0x0  }
0x129: {  	[sflag:s31] =	ssyncadd.s32 $0xFFFFD800  }
0x12a: {  	_ =	swait.ge [sflag:s4], $0x50  }
0x12b: {  	s7 =	sadd.s32 $0x1, s7;
	s13 =	rddreg [dreg:$0xc]  }
0x12c: {  	p0 =	sne.s32 s7, s13  }
.Ltmp5:
0x12d: {  	_ = 	snop;
	(pc) =	sbr.rel @p0 .LBB2_1-.Ltmp5, $3  }
0x12e: {  	_ =	sdelay $0x1  }
0x12f: {  	[sflag:s4] =	ssyncset.done $0x0  }
0x130: {  	[sflag:s4] =	ssyncadd.s32 $0xFFFFFFB0  }
0x131: {  	_ =	sfence.sel $0x180000  }
0x132: {  	[bflag:$0x0] =	sbarrier.arrive $0xFFFF  }
0x133: {  	_ =	strace $0x90000047  }
0x134: {  	s0 =	stileid.u32;
	[bflag:$0x2] =	sbarrier.arrive $0xFFFF  }
0x135: {  	p0 =	sne.s32 s0, $0x0;
	s0 =	rddreg [dreg:$0x5]  }
0x136: {  	s0 =	sadd.s32 @!p0 $0x100000, s0  }
0x137: {  	[sflag:s0] =	ssyncadd.tile.s32 @!p0 $0x1;
	_ =	shalt  }
.Lfunc_end2:
_tile_overlayer_lowered:
.L_overlay_start_2:
0x138: {  	(tag) =	ssettag $0x2  }
0x139: {  	s0 =	rddreg [dreg:$0x0];
	s2 =	stileid.u32  }
0x13a: {  	s1 =	rddreg [dreg:$0x1];
	p0 =	sne.s32 s2, $0x0  }
0x13b: {  	s3 =	rddreg [dreg:$0x2];
	[bflag:$0x3] =	sbarrier.arrive $0xFFFF;
	s2 =	simm.s32 @!p0 $0x1C05  }
0x13c: {  	[timem:s3], [sflag:s2] =	dma.local @!p0 [hbm:s0], s1  }
0x13d: {  	s0 =	simm.s32 @!p0 $0x5  }
0x13e: {  	_ =	swait.ge @!p0 [sflag:s0], s1  }
0x13f: {  	s1 =	ssub.s32 @!p0 $0x0, s1;
	[sflag:s0] =	ssyncset.done @!p0 $0x0  }
0x140: {  	[sflag:s0] =	ssyncadd.s32 @!p0 s1  }
0x141: {  	[bflag:$0x3] =	sbarrier.arrive $0xFFFF  }
0x142: {  	_ =	shalt  }

</sc_bundles>
